<compile_context>
chip_gen: v7x
topology: tpu7x:2x2x1
jax: 0.10.2.dev20260603
libtpu: 0.0.44.dev20260713+nightly
codegen_flags: <defaults>
</compile_context>

<pallas_src>
import jax
import jax.numpy as jnp
from jax import lax
from jax.experimental import pallas as pl
from jax.experimental.pallas import tpu as pltpu
from jax.experimental.pallas import tpu_sc as plsc

_B, _L, _V, _D = 4096, 50, 100000, 300
_DT = 304
_NC, _NS = 2, 16
_NW = _NC * _NS
_LANES = 16
_NG = _B // _LANES


def _sc_body(ids_hbm, len_hbm, tableT_hbm, emb_hbm, mask_hbm,
             rowbuf, ida, idb, outa, outb, lenbuf,
             sem_row, sem_a, sem_b, sem_oa, sem_ob):
    wid = lax.axis_index("s") * _NC + lax.axis_index("c")

    rowbuf[pl.ds(_V, _LANES)] = jnp.zeros((_LANES,), jnp.float32)

    pltpu.sync_copy(len_hbm, lenbuf)
    for extra in (0, _NW):
        lrow = wid + extra

        @pl.when(lrow < _L)
        def _mask_row(lrow=lrow):
            @plsc.parallel_loop(0, _NG, 1, unroll=4)
            def _m(g):
                lens16 = lenbuf[pl.ds(g * _LANES, _LANES)]
                outa[pl.ds(g * _LANES, _LANES)] = \
                    (lrow < lens16).astype(jnp.float32)

            pltpu.sync_copy(outa, mask_hbm.at[lrow])

    def _gather_row(idref, outref):
        @plsc.parallel_loop(0, _NG, 1, unroll=4)
        def _g(g):
            idx16 = idref[pl.ds(g * _LANES, _LANES)]
            outref[pl.ds(g * _LANES, _LANES)] = \
                plsc.load_gather(rowbuf, [idx16])

    nf = 9 + (wid < 12).astype(jnp.int32)

    def k_body(k, carry):
        f = wid + _NW * k
        pltpu.async_copy(ids_hbm.at[0], ida, sem_a)
        pltpu.sync_copy(tableT_hbm.at[pl.ds(f * _V, _V)],
                        rowbuf.at[pl.ds(0, _V)])

        def l2_body(l2, c2):
            l0 = l2 * 2
            pltpu.make_async_copy(ids_hbm.at[l0], ida, sem_a).wait()
            pltpu.async_copy(ids_hbm.at[l0 + 1], idb, sem_b)

            @pl.when(l2 > 0)
            def _():
                pltpu.make_async_copy(outa, emb_hbm.at[0, 0], sem_oa).wait()

            _gather_row(ida, outa)
            pltpu.async_copy(outa, emb_hbm.at[l0, f], sem_oa)
            pltpu.make_async_copy(ids_hbm.at[l0 + 1], idb, sem_b).wait()

            @pl.when(l2 < _L // 2 - 1)
            def _():
                pltpu.async_copy(ids_hbm.at[l0 + 2], ida, sem_a)

            @pl.when(l2 > 0)
            def _():
                pltpu.make_async_copy(outb, emb_hbm.at[0, 0], sem_ob).wait()

            _gather_row(idb, outb)
            pltpu.async_copy(outb, emb_hbm.at[l0 + 1, f], sem_ob)
            return c2

        lax.fori_loop(0, _L // 2, l2_body, 0)
        pltpu.make_async_copy(outa, emb_hbm.at[0, 0], sem_oa).wait()
        pltpu.make_async_copy(outb, emb_hbm.at[0, 0], sem_ob).wait()
        return carry

    lax.fori_loop(0, nf, k_body, 0)


@jax.jit
def _sc_call(ids_m, lens, tableT):
    mesh = plsc.VectorSubcoreMesh(
        core_axis_name="c", subcore_axis_name="s",
        num_cores=_NC, num_subcores=_NS)
    fn = pl.kernel(
        _sc_body,
        out_type=[
            jax.ShapeDtypeStruct((_L, _DT, _B), jnp.float32),
            jax.ShapeDtypeStruct((_L, _B), jnp.float32),
        ],
        mesh=mesh,
        scratch_types=[
            pltpu.VMEM((_V + _LANES,), jnp.float32),
            pltpu.VMEM((_B,), jnp.int32),
            pltpu.VMEM((_B,), jnp.int32),
            pltpu.VMEM((_B,), jnp.float32),
            pltpu.VMEM((_B,), jnp.float32),
            pltpu.VMEM((_B,), jnp.int32),
            pltpu.SemaphoreType.DMA,
            pltpu.SemaphoreType.DMA,
            pltpu.SemaphoreType.DMA,
            pltpu.SemaphoreType.DMA,
            pltpu.SemaphoreType.DMA,
        ],
        compiler_params=pltpu.CompilerParams(
            needs_layout_passes=False, use_tc_tiling_on_sc=True),
    )
    return fn(ids_m, lens, tableT)


def kernel(token_ids, lengths, fasttext_table):
    assert token_ids.shape == (_B, _L) and fasttext_table.shape == (_V, _D)
    lens = lengths.astype(jnp.int32)
    ids_t = token_ids.T.astype(jnp.int32)
    valid = jnp.arange(_L, dtype=jnp.int32)[:, None] < lens[None, :]
    ids_m = jnp.where(valid, ids_t, _V)
    tableT = fasttext_table.astype(jnp.float32).T.reshape(-1)
    emb_phys, mask_phys = _sc_call(ids_m, lens, tableT)
    emb = jnp.transpose(emb_phys, (2, 0, 1))[:, :, :_D]
    mask = jnp.transpose(mask_phys, (1, 0))
    return emb, mask

# --- scband reference (transcript-rebuilt; emitter-appended) ---
"""Pipeline reference for scband-fast-text-layer-29197187678446 (READ-ONLY COPY).

The authoritative reference and input builder live on the scoring server;
editing this copy changes nothing except your own understanding.
"""

import jax, jax.numpy as jnp
import numpy as np

B, L, V, D = 4096, 50, 100000, 300

def setup_inputs(seed: int = 0) -> dict:
    key = jax.random.key(seed)
    k1, k2, k3 = jax.random.split(key, 3)
    token_ids = jax.random.randint(k1, (B, L), 0, V)
    lengths = jax.random.randint(k2, (B,), 1, L + 1).astype(jnp.int32)
    fasttext_table = jax.random.normal(k3, (V, D), dtype=jnp.float32) * 0.1
    return {"token_ids": token_ids, "lengths": lengths, "fasttext_table": fasttext_table}

def reference(token_ids, lengths, fasttext_table):
    # FastTextLayer.forward: per-utterance token-vector lookup + pad_sequence
    # Reinterpreted: tokenized utterances are pre-converted to int ids padded to L,
    # with true lengths given. pad_sequence(padding_value=0) -> zero rows past length.
    Lq = token_ids.shape[1]
    mask = (jnp.arange(Lq)[None, :] < lengths[:, None]).astype(jnp.float32)  # [B, L]
    embeddings = jnp.take(fasttext_table, token_ids, axis=0)                # [B, L, D] gather
    embeddings = embeddings * mask[..., None]                               # zero-pad beyond length
    return embeddings, mask

if __name__ == "__main__":
    import jax
    _d = setup_inputs()
    print(jax.jit(kernel)(*tuple(_d.values())))

</pallas_src>

<mosaic_0001>
#map = affine_map<(d0, d1) -> (0, 0)>
#map1 = affine_map<(d0, d1) -> (0)>
#map2 = affine_map<(d0, d1) -> (0, 0, 0)>
module attributes {stable_mosaic.version = 14 : i64} {
  func.func @_sc_body(%arg0: i32, %arg1: i32, %arg2: memref<50x4096xi32, #tpu.memory_space<hbm>>, %arg3: memref<4096xi32, #tpu.memory_space<hbm>>, %arg4: memref<30000000xf32, #tpu.memory_space<hbm>>, %arg5: memref<50x304x4096xf32, #tpu.memory_space<hbm>>, %arg6: memref<50x4096xf32, #tpu.memory_space<hbm>>, %arg7: memref<100016xf32, #tpu.memory_space<vmem>>, %arg8: memref<4096xi32, #tpu.memory_space<vmem>>, %arg9: memref<4096xi32, #tpu.memory_space<vmem>>, %arg10: memref<4096xf32, #tpu.memory_space<vmem>>, %arg11: memref<4096xf32, #tpu.memory_space<vmem>>, %arg12: memref<4096xi32, #tpu.memory_space<vmem>>, %arg13: memref<!tpu.dma_semaphore, #tpu.memory_space<semaphore_mem>>, %arg14: memref<!tpu.dma_semaphore, #tpu.memory_space<semaphore_mem>>, %arg15: memref<!tpu.dma_semaphore, #tpu.memory_space<semaphore_mem>>, %arg16: memref<!tpu.dma_semaphore, #tpu.memory_space<semaphore_mem>>, %arg17: memref<!tpu.dma_semaphore, #tpu.memory_space<semaphore_mem>>) attributes {dimension_semantics = [#tpu.dimension_semantics<core_parallel>, #tpu.dimension_semantics<subcore_parallel>], iteration_bounds = array<i64: 2, 16>, scalar_prefetch = 0 : i64, scratch_operands = 11 : i64, tpu.core_type = #tpu.core_type<sc_vector_subcore>, window_params = [{transform_indices = #map}, {transform_indices = #map1}, {transform_indices = #map1}, {transform_indices = #map2}, {transform_indices = #map}]} {
    %mul3A = arith.constant 2 : i32
    %mul3A_0 = arith.muli %arg1, %mul3A : i32
    %add3A = arith.addi %mul3A_0, %arg0 : i32
    %broadcast_in_dim3A = arith.constant 0.000000e+00 : f32
    %broadcast_in_dim3A_1 = vector.broadcast %broadcast_in_dim3A : f32 to vector<16xf32>
    %swap3A = arith.constant 100000 : index
    %swap3A_2 = tpu.vector_load %arg7[%swap3A] {strides = array<i32>} : memref<100016xf32, #tpu.memory_space<vmem>>, vector<16xf32>,
    tpu.vector_store %arg7[%swap3A], %broadcast_in_dim3A_1 {strides = array<i32>} : memref<100016xf32, #tpu.memory_space<vmem>>, vector<16xf32>,
    "tpu.region"() ({
      %run_scoped3A = tpu.sem_alloc : memref<!tpu.dma_semaphore, #tpu.memory_space<semaphore_mem>>
      tpu.enqueue_dma source(%arg3 : memref<4096xi32, #tpu.memory_space<hbm>>) target(%arg12 : memref<4096xi32, #tpu.memory_space<vmem>>) target_semaphore(%run_scoped3A : memref<!tpu.dma_semaphore, #tpu.memory_space<semaphore_mem>>)
      tpu.wait_dma2 semaphore(%run_scoped3A : memref<!tpu.dma_semaphore, #tpu.memory_space<semaphore_mem>>) src(%arg3 : memref<4096xi32, #tpu.memory_space<hbm>>) dst(%arg12 : memref<4096xi32, #tpu.memory_space<vmem>>)
      tpu.yield
    }) : () -> ()
    %add3A_3 = arith.constant 0 : i32
    %add3A_4 = arith.addi %add3A, %add3A_3 : i32
    %lt3A = arith.constant 50 : i32
    %lt3A_5 = arith.cmpi slt, %add3A_4, %lt3A : i32
    %convert_element_type3A = arith.extui %lt3A_5 : i1 to i32
    %cond3A = arith.constant 0 : i32
    %cond3A_6 = arith.cmpi ne, %convert_element_type3A, %cond3A : i32
    scf.if %cond3A_6 {
      %parallel_loop3A = arith.constant 0 : i32
      %parallel_loop3A_28 = arith.constant 256 : i32
      %parallel_loop3A_29 = arith.constant 1 : i32
      scf.for %parallel_loop3A_30 = %parallel_loop3A to %parallel_loop3A_28 step %parallel_loop3A_29  : i32 {
        %parallel_loop3A_31 = arith.constant 16 : i32
        %parallel_loop3A_32 = arith.muli %parallel_loop3A_30, %parallel_loop3A_31 : i32
        %parallel_loop3A_33 = arith.index_cast %parallel_loop3A_32 : i32 to index
        %parallel_loop3A_34 = tpu.vector_load %arg12[%parallel_loop3A_33] {strides = array<i32>} : memref<4096xi32, #tpu.memory_space<vmem>>, vector<16xi32>,
        %parallel_loop3A_35 = vector.broadcast %add3A_4 : i32 to vector<16xi32>
        %parallel_loop3A_36 = arith.cmpi slt, %parallel_loop3A_35, %parallel_loop3A_34 : vector<16xi32>
        %parallel_loop3A_37 = arith.extui %parallel_loop3A_36 : vector<16xi1> to vector<16xi32>
        %parallel_loop3A_38 = arith.sitofp %parallel_loop3A_37 : vector<16xi32> to vector<16xf32>
        %parallel_loop3A_39 = arith.constant 16 : i32
        %parallel_loop3A_40 = arith.muli %parallel_loop3A_30, %parallel_loop3A_39 : i32
        %parallel_loop3A_41 = arith.index_cast %parallel_loop3A_40 : i32 to index
        %parallel_loop3A_42 = tpu.vector_load %arg10[%parallel_loop3A_41] {strides = array<i32>} : memref<4096xf32, #tpu.memory_space<vmem>>, vector<16xf32>,
        tpu.vector_store %arg10[%parallel_loop3A_41], %parallel_loop3A_38 {strides = array<i32>} : memref<4096xf32, #tpu.memory_space<vmem>>, vector<16xf32>,
      } {sc.loop_unroll_factor = 4 : i64, sc.parallel_access}
      "tpu.region"() ({
        %run_scoped3A = tpu.sem_alloc : memref<!tpu.dma_semaphore, #tpu.memory_space<semaphore_mem>>
        %dma_start3A = arith.constant 0 : i32
        %dma_start3A_30 = tpu.memref_slice %arg6[%add3A_4, %dma_start3A] : memref<50x4096xf32, #tpu.memory_space<hbm>> -> memref<1x4096xf32, #tpu.memory_space<hbm>>
        %dma_start3A_31 = tpu.memref_squeeze %dma_start3A_30 : memref<1x4096xf32, #tpu.memory_space<hbm>> -> memref<4096xf32, #tpu.memory_space<hbm>>
        %dma_start3A_32 = arith.constant 0 : i32
        %dma_start3A_33 = tpu.memref_slice %arg6[%add3A_4, %dma_start3A_32] : memref<50x4096xf32, #tpu.memory_space<hbm>> -> memref<1x4096xf32, #tpu.memory_space<hbm>>
        %dma_start3A_34 = tpu.memref_squeeze %dma_start3A_33 : memref<1x4096xf32, #tpu.memory_space<hbm>> -> memref<4096xf32, #tpu.memory_space<hbm>>
        tpu.enqueue_dma source(%arg10 : memref<4096xf32, #tpu.memory_space<vmem>>) target(%dma_start3A_34 : memref<4096xf32, #tpu.memory_space<hbm>>) target_semaphore(%run_scoped3A : memref<!tpu.dma_semaphore, #tpu.memory_space<semaphore_mem>>)
        %dma_wait3A = arith.constant 0 : i32
        %dma_wait3A_35 = tpu.memref_slice %arg6[%add3A_4, %dma_wait3A] : memref<50x4096xf32, #tpu.memory_space<hbm>> -> memref<1x4096xf32, #tpu.memory_space<hbm>>
        %dma_wait3A_36 = tpu.memref_squeeze %dma_wait3A_35 : memref<1x4096xf32, #tpu.memory_space<hbm>> -> memref<4096xf32, #tpu.memory_space<hbm>>
        %dma_wait3A_37 = arith.constant 0 : i32
        %dma_wait3A_38 = tpu.memref_slice %arg6[%add3A_4, %dma_wait3A_37] : memref<50x4096xf32, #tpu.memory_space<hbm>> -> memref<1x4096xf32, #tpu.memory_space<hbm>>
        %dma_wait3A_39 = tpu.memref_squeeze %dma_wait3A_38 : memref<1x4096xf32, #tpu.memory_space<hbm>> -> memref<4096xf32, #tpu.memory_space<hbm>>
        tpu.wait_dma2 semaphore(%run_scoped3A : memref<!tpu.dma_semaphore, #tpu.memory_space<semaphore_mem>>) src(%arg10 : memref<4096xf32, #tpu.memory_space<vmem>>) dst(%dma_wait3A_39 : memref<4096xf32, #tpu.memory_space<hbm>>)
        tpu.yield
      }) : () -> ()
    } else {
    }
    %add3A_7 = arith.constant 32 : i32
    %add3A_8 = arith.addi %add3A, %add3A_7 : i32
    %lt3A_9 = arith.constant 50 : i32
    %lt3A_10 = arith.cmpi slt, %add3A_8, %lt3A_9 : i32
    %convert_element_type3A_11 = arith.extui %lt3A_10 : i1 to i32
    %cond3A_12 = arith.constant 0 : i32
    %cond3A_13 = arith.cmpi ne, %convert_element_type3A_11, %cond3A_12 : i32
    scf.if %cond3A_13 {
      %parallel_loop3A = arith.constant 0 : i32
      %parallel_loop3A_28 = arith.constant 256 : i32
      %parallel_loop3A_29 = arith.constant 1 : i32
      scf.for %parallel_loop3A_30 = %parallel_loop3A to %parallel_loop3A_28 step %parallel_loop3A_29  : i32 {
        %parallel_loop3A_31 = arith.constant 16 : i32
        %parallel_loop3A_32 = arith.muli %parallel_loop3A_30, %parallel_loop3A_31 : i32
        %parallel_loop3A_33 = arith.index_cast %parallel_loop3A_32 : i32 to index
        %parallel_loop3A_34 = tpu.vector_load %arg12[%parallel_loop3A_33] {strides = array<i32>} : memref<4096xi32, #tpu.memory_space<vmem>>, vector<16xi32>,
        %parallel_loop3A_35 = vector.broadcast %add3A_8 : i32 to vector<16xi32>
        %parallel_loop3A_36 = arith.cmpi slt, %parallel_loop3A_35, %parallel_loop3A_34 : vector<16xi32>
        %parallel_loop3A_37 = arith.extui %parallel_loop3A_36 : vector<16xi1> to vector<16xi32>
        %parallel_loop3A_38 = arith.sitofp %parallel_loop3A_37 : vector<16xi32> to vector<16xf32>
        %parallel_loop3A_39 = arith.constant 16 : i32
        %parallel_loop3A_40 = arith.muli %parallel_loop3A_30, %parallel_loop3A_39 : i32
        %parallel_loop3A_41 = arith.index_cast %parallel_loop3A_40 : i32 to index
        %parallel_loop3A_42 = tpu.vector_load %arg10[%parallel_loop3A_41] {strides = array<i32>} : memref<4096xf32, #tpu.memory_space<vmem>>, vector<16xf32>,
        tpu.vector_store %arg10[%parallel_loop3A_41], %parallel_loop3A_38 {strides = array<i32>} : memref<4096xf32, #tpu.memory_space<vmem>>, vector<16xf32>,
      } {sc.loop_unroll_factor = 4 : i64, sc.parallel_access}
      "tpu.region"() ({
        %run_scoped3A = tpu.sem_alloc : memref<!tpu.dma_semaphore, #tpu.memory_space<semaphore_mem>>
        %dma_start3A = arith.constant 0 : i32
        %dma_start3A_30 = tpu.memref_slice %arg6[%add3A_8, %dma_start3A] : memref<50x4096xf32, #tpu.memory_space<hbm>> -> memref<1x4096xf32, #tpu.memory_space<hbm>>
        %dma_start3A_31 = tpu.memref_squeeze %dma_start3A_30 : memref<1x4096xf32, #tpu.memory_space<hbm>> -> memref<4096xf32, #tpu.memory_space<hbm>>
        %dma_start3A_32 = arith.constant 0 : i32
        %dma_start3A_33 = tpu.memref_slice %arg6[%add3A_8, %dma_start3A_32] : memref<50x4096xf32, #tpu.memory_space<hbm>> -> memref<1x4096xf32, #tpu.memory_space<hbm>>
        %dma_start3A_34 = tpu.memref_squeeze %dma_start3A_33 : memref<1x4096xf32, #tpu.memory_space<hbm>> -> memref<4096xf32, #tpu.memory_space<hbm>>
        tpu.enqueue_dma source(%arg10 : memref<4096xf32, #tpu.memory_space<vmem>>) target(%dma_start3A_34 : memref<4096xf32, #tpu.memory_space<hbm>>) target_semaphore(%run_scoped3A : memref<!tpu.dma_semaphore, #tpu.memory_space<semaphore_mem>>)
        %dma_wait3A = arith.constant 0 : i32
        %dma_wait3A_35 = tpu.memref_slice %arg6[%add3A_8, %dma_wait3A] : memref<50x4096xf32, #tpu.memory_space<hbm>> -> memref<1x4096xf32, #tpu.memory_space<hbm>>
        %dma_wait3A_36 = tpu.memref_squeeze %dma_wait3A_35 : memref<1x4096xf32, #tpu.memory_space<hbm>> -> memref<4096xf32, #tpu.memory_space<hbm>>
        %dma_wait3A_37 = arith.constant 0 : i32
        %dma_wait3A_38 = tpu.memref_slice %arg6[%add3A_8, %dma_wait3A_37] : memref<50x4096xf32, #tpu.memory_space<hbm>> -> memref<1x4096xf32, #tpu.memory_space<hbm>>
        %dma_wait3A_39 = tpu.memref_squeeze %dma_wait3A_38 : memref<1x4096xf32, #tpu.memory_space<hbm>> -> memref<4096xf32, #tpu.memory_space<hbm>>
        tpu.wait_dma2 semaphore(%run_scoped3A : memref<!tpu.dma_semaphore, #tpu.memory_space<semaphore_mem>>) src(%arg10 : memref<4096xf32, #tpu.memory_space<vmem>>) dst(%dma_wait3A_39 : memref<4096xf32, #tpu.memory_space<hbm>>)
        tpu.yield
      }) : () -> ()
    } else {
    }
    %lt3A_14 = arith.constant 12 : i32
    %lt3A_15 = arith.cmpi slt, %add3A, %lt3A_14 : i32
    %convert_element_type3A_16 = arith.extui %lt3A_15 : i1 to i32
    %add3A_17 = arith.constant 9 : i32
    %add3A_18 = arith.addi %add3A_17, %convert_element_type3A_16 : i32
    %while3A = arith.constant 0 : i32
    %while3A_19 = arith.constant 0 : i32
    %while3A_20 = arith.subi %add3A_18, %while3A_19 : i32
    %while3A_21 = arith.addi %while3A_19, %while3A_20 : i32
    %while3A_22 = arith.constant 1 : i32
    %while3A_23 = arith.divsi %while3A_20, %while3A_22 : i32
    %while3A_24 = arith.muli %while3A_23, %while3A_22 : i32
    %while3A_25 = arith.addi %while3A_19, %while3A_24 : i32
    %while3A_26 = arith.constant 1 : i32
    scf.for %while3A_28 = %while3A_19 to %while3A_25 step %while3A_26  : i32 {
      %mul3A_29 = arith.constant 32 : i32
      %mul3A_30 = arith.muli %mul3A_29, %while3A_28 : i32
      %add3A_31 = arith.addi %add3A, %mul3A_30 : i32
      %dma_start3A = arith.constant 0 : i32
      %dma_start3A_32 = arith.constant 0 : i32
      %dma_start3A_33 = tpu.memref_slice %arg2[%dma_start3A, %dma_start3A_32] : memref<50x4096xi32, #tpu.memory_space<hbm>> -> memref<1x4096xi32, #tpu.memory_space<hbm>>
      %dma_start3A_34 = tpu.memref_squeeze %dma_start3A_33 : memref<1x4096xi32, #tpu.memory_space<hbm>> -> memref<4096xi32, #tpu.memory_space<hbm>>
      %dma_start3A_35 = arith.constant 0 : i32
      %dma_start3A_36 = tpu.memref_slice %arg2[%dma_start3A, %dma_start3A_35] : memref<50x4096xi32, #tpu.memory_space<hbm>> -> memref<1x4096xi32, #tpu.memory_space<hbm>>
      %dma_start3A_37 = tpu.memref_squeeze %dma_start3A_36 : memref<1x4096xi32, #tpu.memory_space<hbm>> -> memref<4096xi32, #tpu.memory_space<hbm>>
      tpu.enqueue_dma source(%dma_start3A_37 : memref<4096xi32, #tpu.memory_space<hbm>>) target(%arg8 : memref<4096xi32, #tpu.memory_space<vmem>>) target_semaphore(%arg14 : memref<!tpu.dma_semaphore, #tpu.memory_space<semaphore_mem>>)
      %mul3A_38 = arith.constant 100000 : i32
      %mul3A_39 = arith.muli %add3A_31, %mul3A_38 : i32
      "tpu.region"() ({
        %run_scoped3A = tpu.sem_alloc : memref<!tpu.dma_semaphore, #tpu.memory_space<semaphore_mem>>
        %dma_start3A_60 = arith.constant 0 : i32
        %dma_start3A_61 = tpu.memref_slice %arg7[%dma_start3A_60] : memref<100016xf32, #tpu.memory_space<vmem>> -> memref<100000xf32, #tpu.memory_space<vmem>>
        %dma_start3A_62 = tpu.memref_slice %arg4[%mul3A_39] : memref<30000000xf32, #tpu.memory_space<hbm>> -> memref<100000xf32, #tpu.memory_space<hbm>>
        %dma_start3A_63 = arith.constant 0 : i32
        %dma_start3A_64 = tpu.memref_slice %arg7[%dma_start3A_63] : memref<100016xf32, #tpu.memory_space<vmem>> -> memref<100000xf32, #tpu.memory_space<vmem>>
        %dma_start3A_65 = tpu.memref_slice %arg4[%mul3A_39] : memref<30000000xf32, #tpu.memory_space<hbm>> -> memref<100000xf32, #tpu.memory_space<hbm>>
        tpu.enqueue_dma source(%dma_start3A_65 : memref<100000xf32, #tpu.memory_space<hbm>>) target(%dma_start3A_64 : memref<100000xf32, #tpu.memory_space<vmem>>) target_semaphore(%run_scoped3A : memref<!tpu.dma_semaphore, #tpu.memory_space<semaphore_mem>>)
        %dma_wait3A_66 = arith.constant 0 : i32
        %dma_wait3A_67 = tpu.memref_slice %arg7[%dma_wait3A_66] : memref<100016xf32, #tpu.memory_space<vmem>> -> memref<100000xf32, #tpu.memory_space<vmem>>
        %dma_wait3A_68 = tpu.memref_slice %arg4[%mul3A_39] : memref<30000000xf32, #tpu.memory_space<hbm>> -> memref<100000xf32, #tpu.memory_space<hbm>>
        %dma_wait3A_69 = arith.constant 0 : i32
        %dma_wait3A_70 = tpu.memref_slice %arg7[%dma_wait3A_69] : memref<100016xf32, #tpu.memory_space<vmem>> -> memref<100000xf32, #tpu.memory_space<vmem>>
        %dma_wait3A_71 = tpu.memref_slice %arg4[%mul3A_39] : memref<30000000xf32, #tpu.memory_space<hbm>> -> memref<100000xf32, #tpu.memory_space<hbm>>
        tpu.wait_dma2 semaphore(%run_scoped3A : memref<!tpu.dma_semaphore, #tpu.memory_space<semaphore_mem>>) src(%dma_wait3A_71 : memref<100000xf32, #tpu.memory_space<hbm>>) dst(%dma_wait3A_70 : memref<100000xf32, #tpu.memory_space<vmem>>)
        tpu.yield
      }) : () -> ()
      %scan3A = arith.constant 0 : i32
      %scan3A_40 = arith.constant 0 : i32
      %scan3A_41 = arith.constant 25 : i32
      %scan3A_42 = arith.addi %scan3A_40, %scan3A_41 : i32
      %scan3A_43 = arith.constant 1 : i32
      scf.for %scan3A_60 = %scan3A_40 to %scan3A_42 step %scan3A_43  : i32 {
        %mul3A_61 = arith.constant 2 : i32
        %mul3A_62 = arith.muli %scan3A_60, %mul3A_61 : i32
        %dma_wait3A_63 = arith.constant 0 : i32
        %dma_wait3A_64 = tpu.memref_slice %arg2[%mul3A_62, %dma_wait3A_63] : memref<50x4096xi32, #tpu.memory_space<hbm>> -> memref<1x4096xi32, #tpu.memory_space<hbm>>
        %dma_wait3A_65 = tpu.memref_squeeze %dma_wait3A_64 : memref<1x4096xi32, #tpu.memory_space<hbm>> -> memref<4096xi32, #tpu.memory_space<hbm>>
        %dma_wait3A_66 = arith.constant 0 : i32
        %dma_wait3A_67 = tpu.memref_slice %arg2[%mul3A_62, %dma_wait3A_66] : memref<50x4096xi32, #tpu.memory_space<hbm>> -> memref<1x4096xi32, #tpu.memory_space<hbm>>
        %dma_wait3A_68 = tpu.memref_squeeze %dma_wait3A_67 : memref<1x4096xi32, #tpu.memory_space<hbm>> -> memref<4096xi32, #tpu.memory_space<hbm>>
        tpu.wait_dma2 semaphore(%arg14 : memref<!tpu.dma_semaphore, #tpu.memory_space<semaphore_mem>>) src(%dma_wait3A_68 : memref<4096xi32, #tpu.memory_space<hbm>>) dst(%arg8 : memref<4096xi32, #tpu.memory_space<vmem>>)
        %add3A_69 = arith.constant 1 : i32
        %add3A_70 = arith.addi %mul3A_62, %add3A_69 : i32
        %dma_start3A_71 = arith.constant 0 : i32
        %dma_start3A_72 = tpu.memref_slice %arg2[%add3A_70, %dma_start3A_71] : memref<50x4096xi32, #tpu.memory_space<hbm>> -> memref<1x4096xi32, #tpu.memory_space<hbm>>
        %dma_start3A_73 = tpu.memref_squeeze %dma_start3A_72 : memref<1x4096xi32, #tpu.memory_space<hbm>> -> memref<4096xi32, #tpu.memory_space<hbm>>
        %dma_start3A_74 = arith.constant 0 : i32
        %dma_start3A_75 = tpu.memref_slice %arg2[%add3A_70, %dma_start3A_74] : memref<50x4096xi32, #tpu.memory_space<hbm>> -> memref<1x4096xi32, #tpu.memory_space<hbm>>
        %dma_start3A_76 = tpu.memref_squeeze %dma_start3A_75 : memref<1x4096xi32, #tpu.memory_space<hbm>> -> memref<4096xi32, #tpu.memory_space<hbm>>
        tpu.enqueue_dma source(%dma_start3A_76 : memref<4096xi32, #tpu.memory_space<hbm>>) target(%arg9 : memref<4096xi32, #tpu.memory_space<vmem>>) target_semaphore(%arg15 : memref<!tpu.dma_semaphore, #tpu.memory_space<semaphore_mem>>)
        %gt3A = arith.constant 0 : i32
        %gt3A_77 = arith.cmpi sgt, %scan3A_60, %gt3A : i32
        %convert_element_type3A_78 = arith.extui %gt3A_77 : i1 to i32
        %cond3A_79 = arith.constant 0 : i32
        %cond3A_80 = arith.cmpi ne, %convert_element_type3A_78, %cond3A_79 : i32
        scf.if %cond3A_80 {
          %dma_wait3A_118 = arith.constant 0 : i32
          %dma_wait3A_119 = arith.constant 0 : i32
          %dma_wait3A_120 = arith.constant 0 : i32
          %dma_wait3A_121 = tpu.memref_slice %arg5[%dma_wait3A_118, %dma_wait3A_119, %dma_wait3A_120] : memref<50x304x4096xf32, #tpu.memory_space<hbm>> -> memref<1x1x4096xf32, #tpu.memory_space<hbm>>
          %dma_wait3A_122 = tpu.memref_squeeze %dma_wait3A_121 : memref<1x1x4096xf32, #tpu.memory_space<hbm>> -> memref<4096xf32, #tpu.memory_space<hbm>>
          %dma_wait3A_123 = arith.constant 0 : i32
          %dma_wait3A_124 = tpu.memref_slice %arg5[%dma_wait3A_118, %dma_wait3A_119, %dma_wait3A_123] : memref<50x304x4096xf32, #tpu.memory_space<hbm>> -> memref<1x1x4096xf32, #tpu.memory_space<hbm>>
          %dma_wait3A_125 = tpu.memref_squeeze %dma_wait3A_124 : memref<1x1x4096xf32, #tpu.memory_space<hbm>> -> memref<4096xf32, #tpu.memory_space<hbm>>
          tpu.wait_dma2 semaphore(%arg16 : memref<!tpu.dma_semaphore, #tpu.memory_space<semaphore_mem>>) src(%arg10 : memref<4096xf32, #tpu.memory_space<vmem>>) dst(%dma_wait3A_125 : memref<4096xf32, #tpu.memory_space<hbm>>)
        } else {
        }
        %parallel_loop3A = arith.constant 0 : i32
        %parallel_loop3A_81 = arith.constant 256 : i32
        %parallel_loop3A_82 = arith.constant 1 : i32
        scf.for %parallel_loop3A_118 = %parallel_loop3A to %parallel_loop3A_81 step %parallel_loop3A_82  : i32 {
          %parallel_loop3A_119 = arith.constant 16 : i32
          %parallel_loop3A_120 = arith.muli %parallel_loop3A_118, %parallel_loop3A_119 : i32
          %parallel_loop3A_121 = arith.index_cast %parallel_loop3A_120 : i32 to index
          %parallel_loop3A_122 = tpu.vector_load %arg8[%parallel_loop3A_121] {strides = array<i32>} : memref<4096xi32, #tpu.memory_space<vmem>>, vector<16xi32>,
          %parallel_loop3A_123 = tpu.vector_load_idx %arg7[%parallel_loop3A_122] : memref<100016xf32, #tpu.memory_space<vmem>>[vector<16xi32>], vector<16xf32>,
          %parallel_loop3A_124 = arith.constant 16 : i32
          %parallel_loop3A_125 = arith.muli %parallel_loop3A_118, %parallel_loop3A_124 : i32
          %parallel_loop3A_126 = arith.index_cast %parallel_loop3A_125 : i32 to index
          %parallel_loop3A_127 = tpu.vector_load %arg10[%parallel_loop3A_126] {strides = array<i32>} : memref<4096xf32, #tpu.memory_space<vmem>>, vector<16xf32>,
          tpu.vector_store %arg10[%parallel_loop3A_126], %parallel_loop3A_123 {strides = array<i32>} : memref<4096xf32, #tpu.memory_space<vmem>>, vector<16xf32>,
        } {sc.loop_unroll_factor = 4 : i64, sc.parallel_access}
        %dma_start3A_83 = arith.constant 0 : i32
        %dma_start3A_84 = tpu.memref_slice %arg5[%mul3A_62, %add3A_31, %dma_start3A_83] : memref<50x304x4096xf32, #tpu.memory_space<hbm>> -> memref<1x1x4096xf32, #tpu.memory_space<hbm>>
        %dma_start3A_85 = tpu.memref_squeeze %dma_start3A_84 : memref<1x1x4096xf32, #tpu.memory_space<hbm>> -> memref<4096xf32, #tpu.memory_space<hbm>>
        %dma_start3A_86 = arith.constant 0 : i32
        %dma_start3A_87 = tpu.memref_slice %arg5[%mul3A_62, %add3A_31, %dma_start3A_86] : memref<50x304x4096xf32, #tpu.memory_space<hbm>> -> memref<1x1x4096xf32, #tpu.memory_space<hbm>>
        %dma_start3A_88 = tpu.memref_squeeze %dma_start3A_87 : memref<1x1x4096xf32, #tpu.memory_space<hbm>> -> memref<4096xf32, #tpu.memory_space<hbm>>
        tpu.enqueue_dma source(%arg10 : memref<4096xf32, #tpu.memory_space<vmem>>) target(%dma_start3A_88 : memref<4096xf32, #tpu.memory_space<hbm>>) target_semaphore(%arg16 : memref<!tpu.dma_semaphore, #tpu.memory_space<semaphore_mem>>)
        %add3A_89 = arith.constant 1 : i32
        %add3A_90 = arith.addi %mul3A_62, %add3A_89 : i32
        %dma_wait3A_91 = arith.constant 0 : i32
        %dma_wait3A_92 = tpu.memref_slice %arg2[%add3A_90, %dma_wait3A_91] : memref<50x4096xi32, #tpu.memory_space<hbm>> -> memref<1x4096xi32, #tpu.memory_space<hbm>>
        %dma_wait3A_93 = tpu.memref_squeeze %dma_wait3A_92 : memref<1x4096xi32, #tpu.memory_space<hbm>> -> memref<4096xi32, #tpu.memory_space<hbm>>
        %dma_wait3A_94 = arith.constant 0 : i32
        %dma_wait3A_95 = tpu.memref_slice %arg2[%add3A_90, %dma_wait3A_94] : memref<50x4096xi32, #tpu.memory_space<hbm>> -> memref<1x4096xi32, #tpu.memory_space<hbm>>
        %dma_wait3A_96 = tpu.memref_squeeze %dma_wait3A_95 : memref<1x4096xi32, #tpu.memory_space<hbm>> -> memref<4096xi32, #tpu.memory_space<hbm>>
        tpu.wait_dma2 semaphore(%arg15 : memref<!tpu.dma_semaphore, #tpu.memory_space<semaphore_mem>>) src(%dma_wait3A_96 : memref<4096xi32, #tpu.memory_space<hbm>>) dst(%arg9 : memref<4096xi32, #tpu.memory_space<vmem>>)
        %lt3A_97 = arith.constant 24 : i32
        %lt3A_98 = arith.cmpi slt, %scan3A_60, %lt3A_97 : i32
        %convert_element_type3A_99 = arith.extui %lt3A_98 : i1 to i32
        %cond3A_100 = arith.constant 0 : i32
        %cond3A_101 = arith.cmpi ne, %convert_element_type3A_99, %cond3A_100 : i32
        scf.if %cond3A_101 {
          %add3A_118 = arith.constant 2 : i32
          %add3A_119 = arith.addi %mul3A_62, %add3A_118 : i32
          %dma_start3A_120 = arith.constant 0 : i32
          %dma_start3A_121 = tpu.memref_slice %arg2[%add3A_119, %dma_start3A_120] : memref<50x4096xi32, #tpu.memory_space<hbm>> -> memref<1x4096xi32, #tpu.memory_space<hbm>>
          %dma_start3A_122 = tpu.memref_squeeze %dma_start3A_121 : memref<1x4096xi32, #tpu.memory_space<hbm>> -> memref<4096xi32, #tpu.memory_space<hbm>>
          %dma_start3A_123 = arith.constant 0 : i32
          %dma_start3A_124 = tpu.memref_slice %arg2[%add3A_119, %dma_start3A_123] : memref<50x4096xi32, #tpu.memory_space<hbm>> -> memref<1x4096xi32, #tpu.memory_space<hbm>>
          %dma_start3A_125 = tpu.memref_squeeze %dma_start3A_124 : memref<1x4096xi32, #tpu.memory_space<hbm>> -> memref<4096xi32, #tpu.memory_space<hbm>>
          tpu.enqueue_dma source(%dma_start3A_125 : memref<4096xi32, #tpu.memory_space<hbm>>) target(%arg8 : memref<4096xi32, #tpu.memory_space<vmem>>) target_semaphore(%arg14 : memref<!tpu.dma_semaphore, #tpu.memory_space<semaphore_mem>>)
        } else {
        }
        %gt3A_102 = arith.constant 0 : i32
        %gt3A_103 = arith.cmpi sgt, %scan3A_60, %gt3A_102 : i32
        %convert_element_type3A_104 = arith.extui %gt3A_103 : i1 to i32
        %cond3A_105 = arith.constant 0 : i32
        %cond3A_106 = arith.cmpi ne, %convert_element_type3A_104, %cond3A_105 : i32
        scf.if %cond3A_106 {
          %dma_wait3A_118 = arith.constant 0 : i32
          %dma_wait3A_119 = arith.constant 0 : i32
          %dma_wait3A_120 = arith.constant 0 : i32
          %dma_wait3A_121 = tpu.memref_slice %arg5[%dma_wait3A_118, %dma_wait3A_119, %dma_wait3A_120] : memref<50x304x4096xf32, #tpu.memory_space<hbm>> -> memref<1x1x4096xf32, #tpu.memory_space<hbm>>
          %dma_wait3A_122 = tpu.memref_squeeze %dma_wait3A_121 : memref<1x1x4096xf32, #tpu.memory_space<hbm>> -> memref<4096xf32, #tpu.memory_space<hbm>>
          %dma_wait3A_123 = arith.constant 0 : i32
          %dma_wait3A_124 = tpu.memref_slice %arg5[%dma_wait3A_118, %dma_wait3A_119, %dma_wait3A_123] : memref<50x304x4096xf32, #tpu.memory_space<hbm>> -> memref<1x1x4096xf32, #tpu.memory_space<hbm>>
          %dma_wait3A_125 = tpu.memref_squeeze %dma_wait3A_124 : memref<1x1x4096xf32, #tpu.memory_space<hbm>> -> memref<4096xf32, #tpu.memory_space<hbm>>
          tpu.wait_dma2 semaphore(%arg17 : memref<!tpu.dma_semaphore, #tpu.memory_space<semaphore_mem>>) src(%arg11 : memref<4096xf32, #tpu.memory_space<vmem>>) dst(%dma_wait3A_125 : memref<4096xf32, #tpu.memory_space<hbm>>)
        } else {
        }
        %parallel_loop3A_107 = arith.constant 0 : i32
        %parallel_loop3A_108 = arith.constant 256 : i32
        %parallel_loop3A_109 = arith.constant 1 : i32
        scf.for %parallel_loop3A_118 = %parallel_loop3A_107 to %parallel_loop3A_108 step %parallel_loop3A_109  : i32 {
          %parallel_loop3A_119 = arith.constant 16 : i32
          %parallel_loop3A_120 = arith.muli %parallel_loop3A_118, %parallel_loop3A_119 : i32
          %parallel_loop3A_121 = arith.index_cast %parallel_loop3A_120 : i32 to index
          %parallel_loop3A_122 = tpu.vector_load %arg9[%parallel_loop3A_121] {strides = array<i32>} : memref<4096xi32, #tpu.memory_space<vmem>>, vector<16xi32>,
          %parallel_loop3A_123 = tpu.vector_load_idx %arg7[%parallel_loop3A_122] : memref<100016xf32, #tpu.memory_space<vmem>>[vector<16xi32>], vector<16xf32>,
          %parallel_loop3A_124 = arith.constant 16 : i32
          %parallel_loop3A_125 = arith.muli %parallel_loop3A_118, %parallel_loop3A_124 : i32
          %parallel_loop3A_126 = arith.index_cast %parallel_loop3A_125 : i32 to index
          %parallel_loop3A_127 = tpu.vector_load %arg11[%parallel_loop3A_126] {strides = array<i32>} : memref<4096xf32, #tpu.memory_space<vmem>>, vector<16xf32>,
          tpu.vector_store %arg11[%parallel_loop3A_126], %parallel_loop3A_123 {strides = array<i32>} : memref<4096xf32, #tpu.memory_space<vmem>>, vector<16xf32>,
        } {sc.loop_unroll_factor = 4 : i64, sc.parallel_access}
        %add3A_110 = arith.constant 1 : i32
        %add3A_111 = arith.addi %mul3A_62, %add3A_110 : i32
        %dma_start3A_112 = arith.constant 0 : i32
        %dma_start3A_113 = tpu.memref_slice %arg5[%add3A_111, %add3A_31, %dma_start3A_112] : memref<50x304x4096xf32, #tpu.memory_space<hbm>> -> memref<1x1x4096xf32, #tpu.memory_space<hbm>>
        %dma_start3A_114 = tpu.memref_squeeze %dma_start3A_113 : memref<1x1x4096xf32, #tpu.memory_space<hbm>> -> memref<4096xf32, #tpu.memory_space<hbm>>
        %dma_start3A_115 = arith.constant 0 : i32
        %dma_start3A_116 = tpu.memref_slice %arg5[%add3A_111, %add3A_31, %dma_start3A_115] : memref<50x304x4096xf32, #tpu.memory_space<hbm>> -> memref<1x1x4096xf32, #tpu.memory_space<hbm>>
        %dma_start3A_117 = tpu.memref_squeeze %dma_start3A_116 : memref<1x1x4096xf32, #tpu.memory_space<hbm>> -> memref<4096xf32, #tpu.memory_space<hbm>>
        tpu.enqueue_dma source(%arg11 : memref<4096xf32, #tpu.memory_space<vmem>>) target(%dma_start3A_117 : memref<4096xf32, #tpu.memory_space<hbm>>) target_semaphore(%arg17 : memref<!tpu.dma_semaphore, #tpu.memory_space<semaphore_mem>>)
      }
      %scan3A_44 = arith.constant 25 : i32
      %dma_wait3A = arith.constant 0 : i32
      %dma_wait3A_45 = arith.constant 0 : i32
      %dma_wait3A_46 = arith.constant 0 : i32
      %dma_wait3A_47 = tpu.memref_slice %arg5[%dma_wait3A, %dma_wait3A_45, %dma_wait3A_46] : memref<50x304x4096xf32, #tpu.memory_space<hbm>> -> memref<1x1x4096xf32, #tpu.memory_space<hbm>>
      %dma_wait3A_48 = tpu.memref_squeeze %dma_wait3A_47 : memref<1x1x4096xf32, #tpu.memory_space<hbm>> -> memref<4096xf32, #tpu.memory_space<hbm>>
      %dma_wait3A_49 = arith.constant 0 : i32
      %dma_wait3A_50 = tpu.memref_slice %arg5[%dma_wait3A, %dma_wait3A_45, %dma_wait3A_49] : memref<50x304x4096xf32, #tpu.memory_space<hbm>> -> memref<1x1x4096xf32, #tpu.memory_space<hbm>>
      %dma_wait3A_51 = tpu.memref_squeeze %dma_wait3A_50 : memref<1x1x4096xf32, #tpu.memory_space<hbm>> -> memref<4096xf32, #tpu.memory_space<hbm>>
      tpu.wait_dma2 semaphore(%arg16 : memref<!tpu.dma_semaphore, #tpu.memory_space<semaphore_mem>>) src(%arg10 : memref<4096xf32, #tpu.memory_space<vmem>>) dst(%dma_wait3A_51 : memref<4096xf32, #tpu.memory_space<hbm>>)
      %dma_wait3A_52 = arith.constant 0 : i32
      %dma_wait3A_53 = arith.constant 0 : i32
      %dma_wait3A_54 = arith.constant 0 : i32
      %dma_wait3A_55 = tpu.memref_slice %arg5[%dma_wait3A_52, %dma_wait3A_53, %dma_wait3A_54] : memref<50x304x4096xf32, #tpu.memory_space<hbm>> -> memref<1x1x4096xf32, #tpu.memory_space<hbm>>
      %dma_wait3A_56 = tpu.memref_squeeze %dma_wait3A_55 : memref<1x1x4096xf32, #tpu.memory_space<hbm>> -> memref<4096xf32, #tpu.memory_space<hbm>>
      %dma_wait3A_57 = arith.constant 0 : i32
      %dma_wait3A_58 = tpu.memref_slice %arg5[%dma_wait3A_52, %dma_wait3A_53, %dma_wait3A_57] : memref<50x304x4096xf32, #tpu.memory_space<hbm>> -> memref<1x1x4096xf32, #tpu.memory_space<hbm>>
      %dma_wait3A_59 = tpu.memref_squeeze %dma_wait3A_58 : memref<1x1x4096xf32, #tpu.memory_space<hbm>> -> memref<4096xf32, #tpu.memory_space<hbm>>
      tpu.wait_dma2 semaphore(%arg17 : memref<!tpu.dma_semaphore, #tpu.memory_space<semaphore_mem>>) src(%arg11 : memref<4096xf32, #tpu.memory_space<vmem>>) dst(%dma_wait3A_59 : memref<4096xf32, #tpu.memory_space<hbm>>)
    }
    %while3A_27 = arith.constant 1 : i32
    scf.for %while3A_28 = %while3A_25 to %while3A_21 step %while3A_27  : i32 {
      %mul3A_29 = arith.constant 32 : i32
      %mul3A_30 = arith.muli %mul3A_29, %while3A_28 : i32
      %add3A_31 = arith.addi %add3A, %mul3A_30 : i32
      %dma_start3A = arith.constant 0 : i32
      %dma_start3A_32 = arith.constant 0 : i32
      %dma_start3A_33 = tpu.memref_slice %arg2[%dma_start3A, %dma_start3A_32] : memref<50x4096xi32, #tpu.memory_space<hbm>> -> memref<1x4096xi32, #tpu.memory_space<hbm>>
      %dma_start3A_34 = tpu.memref_squeeze %dma_start3A_33 : memref<1x4096xi32, #tpu.memory_space<hbm>> -> memref<4096xi32, #tpu.memory_space<hbm>>
      %dma_start3A_35 = arith.constant 0 : i32
      %dma_start3A_36 = tpu.memref_slice %arg2[%dma_start3A, %dma_start3A_35] : memref<50x4096xi32, #tpu.memory_space<hbm>> -> memref<1x4096xi32, #tpu.memory_space<hbm>>
      %dma_start3A_37 = tpu.memref_squeeze %dma_start3A_36 : memref<1x4096xi32, #tpu.memory_space<hbm>> -> memref<4096xi32, #tpu.memory_space<hbm>>
      tpu.enqueue_dma source(%dma_start3A_37 : memref<4096xi32, #tpu.memory_space<hbm>>) target(%arg8 : memref<4096xi32, #tpu.memory_space<vmem>>) target_semaphore(%arg14 : memref<!tpu.dma_semaphore, #tpu.memory_space<semaphore_mem>>)
      %mul3A_38 = arith.constant 100000 : i32
      %mul3A_39 = arith.muli %add3A_31, %mul3A_38 : i32
      "tpu.region"() ({
        %run_scoped3A = tpu.sem_alloc : memref<!tpu.dma_semaphore, #tpu.memory_space<semaphore_mem>>
        %dma_start3A_60 = arith.constant 0 : i32
        %dma_start3A_61 = tpu.memref_slice %arg7[%dma_start3A_60] : memref<100016xf32, #tpu.memory_space<vmem>> -> memref<100000xf32, #tpu.memory_space<vmem>>
        %dma_start3A_62 = tpu.memref_slice %arg4[%mul3A_39] : memref<30000000xf32, #tpu.memory_space<hbm>> -> memref<100000xf32, #tpu.memory_space<hbm>>
        %dma_start3A_63 = arith.constant 0 : i32
        %dma_start3A_64 = tpu.memref_slice %arg7[%dma_start3A_63] : memref<100016xf32, #tpu.memory_space<vmem>> -> memref<100000xf32, #tpu.memory_space<vmem>>
        %dma_start3A_65 = tpu.memref_slice %arg4[%mul3A_39] : memref<30000000xf32, #tpu.memory_space<hbm>> -> memref<100000xf32, #tpu.memory_space<hbm>>
        tpu.enqueue_dma source(%dma_start3A_65 : memref<100000xf32, #tpu.memory_space<hbm>>) target(%dma_start3A_64 : memref<100000xf32, #tpu.memory_space<vmem>>) target_semaphore(%run_scoped3A : memref<!tpu.dma_semaphore, #tpu.memory_space<semaphore_mem>>)
        %dma_wait3A_66 = arith.constant 0 : i32
        %dma_wait3A_67 = tpu.memref_slice %arg7[%dma_wait3A_66] : memref<100016xf32, #tpu.memory_space<vmem>> -> memref<100000xf32, #tpu.memory_space<vmem>>
        %dma_wait3A_68 = tpu.memref_slice %arg4[%mul3A_39] : memref<30000000xf32, #tpu.memory_space<hbm>> -> memref<100000xf32, #tpu.memory_space<hbm>>
        %dma_wait3A_69 = arith.constant 0 : i32
        %dma_wait3A_70 = tpu.memref_slice %arg7[%dma_wait3A_69] : memref<100016xf32, #tpu.memory_space<vmem>> -> memref<100000xf32, #tpu.memory_space<vmem>>
        %dma_wait3A_71 = tpu.memref_slice %arg4[%mul3A_39] : memref<30000000xf32, #tpu.memory_space<hbm>> -> memref<100000xf32, #tpu.memory_space<hbm>>
        tpu.wait_dma2 semaphore(%run_scoped3A : memref<!tpu.dma_semaphore, #tpu.memory_space<semaphore_mem>>) src(%dma_wait3A_71 : memref<100000xf32, #tpu.memory_space<hbm>>) dst(%dma_wait3A_70 : memref<100000xf32, #tpu.memory_space<vmem>>)
        tpu.yield
      }) : () -> ()
      %scan3A = arith.constant 0 : i32
      %scan3A_40 = arith.constant 0 : i32
      %scan3A_41 = arith.constant 25 : i32
      %scan3A_42 = arith.addi %scan3A_40, %scan3A_41 : i32
      %scan3A_43 = arith.constant 1 : i32
      scf.for %scan3A_60 = %scan3A_40 to %scan3A_42 step %scan3A_43  : i32 {
        %mul3A_61 = arith.constant 2 : i32
        %mul3A_62 = arith.muli %scan3A_60, %mul3A_61 : i32
        %dma_wait3A_63 = arith.constant 0 : i32
        %dma_wait3A_64 = tpu.memref_slice %arg2[%mul3A_62, %dma_wait3A_63] : memref<50x4096xi32, #tpu.memory_space<hbm>> -> memref<1x4096xi32, #tpu.memory_space<hbm>>
        %dma_wait3A_65 = tpu.memref_squeeze %dma_wait3A_64 : memref<1x4096xi32, #tpu.memory_space<hbm>> -> memref<4096xi32, #tpu.memory_space<hbm>>
        %dma_wait3A_66 = arith.constant 0 : i32
        %dma_wait3A_67 = tpu.memref_slice %arg2[%mul3A_62, %dma_wait3A_66] : memref<50x4096xi32, #tpu.memory_space<hbm>> -> memref<1x4096xi32, #tpu.memory_space<hbm>>
        %dma_wait3A_68 = tpu.memref_squeeze %dma_wait3A_67 : memref<1x4096xi32, #tpu.memory_space<hbm>> -> memref<4096xi32, #tpu.memory_space<hbm>>
        tpu.wait_dma2 semaphore(%arg14 : memref<!tpu.dma_semaphore, #tpu.memory_space<semaphore_mem>>) src(%dma_wait3A_68 : memref<4096xi32, #tpu.memory_space<hbm>>) dst(%arg8 : memref<4096xi32, #tpu.memory_space<vmem>>)
        %add3A_69 = arith.constant 1 : i32
        %add3A_70 = arith.addi %mul3A_62, %add3A_69 : i32
        %dma_start3A_71 = arith.constant 0 : i32
        %dma_start3A_72 = tpu.memref_slice %arg2[%add3A_70, %dma_start3A_71] : memref<50x4096xi32, #tpu.memory_space<hbm>> -> memref<1x4096xi32, #tpu.memory_space<hbm>>
        %dma_start3A_73 = tpu.memref_squeeze %dma_start3A_72 : memref<1x4096xi32, #tpu.memory_space<hbm>> -> memref<4096xi32, #tpu.memory_space<hbm>>
        %dma_start3A_74 = arith.constant 0 : i32
        %dma_start3A_75 = tpu.memref_slice %arg2[%add3A_70, %dma_start3A_74] : memref<50x4096xi32, #tpu.memory_space<hbm>> -> memref<1x4096xi32, #tpu.memory_space<hbm>>
        %dma_start3A_76 = tpu.memref_squeeze %dma_start3A_75 : memref<1x4096xi32, #tpu.memory_space<hbm>> -> memref<4096xi32, #tpu.memory_space<hbm>>
        tpu.enqueue_dma source(%dma_start3A_76 : memref<4096xi32, #tpu.memory_space<hbm>>) target(%arg9 : memref<4096xi32, #tpu.memory_space<vmem>>) target_semaphore(%arg15 : memref<!tpu.dma_semaphore, #tpu.memory_space<semaphore_mem>>)
        %gt3A = arith.constant 0 : i32
        %gt3A_77 = arith.cmpi sgt, %scan3A_60, %gt3A : i32
        %convert_element_type3A_78 = arith.extui %gt3A_77 : i1 to i32
        %cond3A_79 = arith.constant 0 : i32
        %cond3A_80 = arith.cmpi ne, %convert_element_type3A_78, %cond3A_79 : i32
        scf.if %cond3A_80 {
          %dma_wait3A_118 = arith.constant 0 : i32
          %dma_wait3A_119 = arith.constant 0 : i32
          %dma_wait3A_120 = arith.constant 0 : i32
          %dma_wait3A_121 = tpu.memref_slice %arg5[%dma_wait3A_118, %dma_wait3A_119, %dma_wait3A_120] : memref<50x304x4096xf32, #tpu.memory_space<hbm>> -> memref<1x1x4096xf32, #tpu.memory_space<hbm>>
          %dma_wait3A_122 = tpu.memref_squeeze %dma_wait3A_121 : memref<1x1x4096xf32, #tpu.memory_space<hbm>> -> memref<4096xf32, #tpu.memory_space<hbm>>
          %dma_wait3A_123 = arith.constant 0 : i32
          %dma_wait3A_124 = tpu.memref_slice %arg5[%dma_wait3A_118, %dma_wait3A_119, %dma_wait3A_123] : memref<50x304x4096xf32, #tpu.memory_space<hbm>> -> memref<1x1x4096xf32, #tpu.memory_space<hbm>>
          %dma_wait3A_125 = tpu.memref_squeeze %dma_wait3A_124 : memref<1x1x4096xf32, #tpu.memory_space<hbm>> -> memref<4096xf32, #tpu.memory_space<hbm>>
          tpu.wait_dma2 semaphore(%arg16 : memref<!tpu.dma_semaphore, #tpu.memory_space<semaphore_mem>>) src(%arg10 : memref<4096xf32, #tpu.memory_space<vmem>>) dst(%dma_wait3A_125 : memref<4096xf32, #tpu.memory_space<hbm>>)
        } else {
        }
        %parallel_loop3A = arith.constant 0 : i32
        %parallel_loop3A_81 = arith.constant 256 : i32
        %parallel_loop3A_82 = arith.constant 1 : i32
        scf.for %parallel_loop3A_118 = %parallel_loop3A to %parallel_loop3A_81 step %parallel_loop3A_82  : i32 {
          %parallel_loop3A_119 = arith.constant 16 : i32
          %parallel_loop3A_120 = arith.muli %parallel_loop3A_118, %parallel_loop3A_119 : i32
          %parallel_loop3A_121 = arith.index_cast %parallel_loop3A_120 : i32 to index
          %parallel_loop3A_122 = tpu.vector_load %arg8[%parallel_loop3A_121] {strides = array<i32>} : memref<4096xi32, #tpu.memory_space<vmem>>, vector<16xi32>,
          %parallel_loop3A_123 = tpu.vector_load_idx %arg7[%parallel_loop3A_122] : memref<100016xf32, #tpu.memory_space<vmem>>[vector<16xi32>], vector<16xf32>,
          %parallel_loop3A_124 = arith.constant 16 : i32
          %parallel_loop3A_125 = arith.muli %parallel_loop3A_118, %parallel_loop3A_124 : i32
          %parallel_loop3A_126 = arith.index_cast %parallel_loop3A_125 : i32 to index
          %parallel_loop3A_127 = tpu.vector_load %arg10[%parallel_loop3A_126] {strides = array<i32>} : memref<4096xf32, #tpu.memory_space<vmem>>, vector<16xf32>,
          tpu.vector_store %arg10[%parallel_loop3A_126], %parallel_loop3A_123 {strides = array<i32>} : memref<4096xf32, #tpu.memory_space<vmem>>, vector<16xf32>,
        } {sc.loop_unroll_factor = 4 : i64, sc.parallel_access}
        %dma_start3A_83 = arith.constant 0 : i32
        %dma_start3A_84 = tpu.memref_slice %arg5[%mul3A_62, %add3A_31, %dma_start3A_83] : memref<50x304x4096xf32, #tpu.memory_space<hbm>> -> memref<1x1x4096xf32, #tpu.memory_space<hbm>>
        %dma_start3A_85 = tpu.memref_squeeze %dma_start3A_84 : memref<1x1x4096xf32, #tpu.memory_space<hbm>> -> memref<4096xf32, #tpu.memory_space<hbm>>
        %dma_start3A_86 = arith.constant 0 : i32
        %dma_start3A_87 = tpu.memref_slice %arg5[%mul3A_62, %add3A_31, %dma_start3A_86] : memref<50x304x4096xf32, #tpu.memory_space<hbm>> -> memref<1x1x4096xf32, #tpu.memory_space<hbm>>
        %dma_start3A_88 = tpu.memref_squeeze %dma_start3A_87 : memref<1x1x4096xf32, #tpu.memory_space<hbm>> -> memref<4096xf32, #tpu.memory_space<hbm>>
        tpu.enqueue_dma source(%arg10 : memref<4096xf32, #tpu.memory_space<vmem>>) target(%dma_start3A_88 : memref<4096xf32, #tpu.memory_space<hbm>>) target_semaphore(%arg16 : memref<!tpu.dma_semaphore, #tpu.memory_space<semaphore_mem>>)
        %add3A_89 = arith.constant 1 : i32
        %add3A_90 = arith.addi %mul3A_62, %add3A_89 : i32
        %dma_wait3A_91 = arith.constant 0 : i32
        %dma_wait3A_92 = tpu.memref_slice %arg2[%add3A_90, %dma_wait3A_91] : memref<50x4096xi32, #tpu.memory_space<hbm>> -> memref<1x4096xi32, #tpu.memory_space<hbm>>
        %dma_wait3A_93 = tpu.memref_squeeze %dma_wait3A_92 : memref<1x4096xi32, #tpu.memory_space<hbm>> -> memref<4096xi32, #tpu.memory_space<hbm>>
        %dma_wait3A_94 = arith.constant 0 : i32
        %dma_wait3A_95 = tpu.memref_slice %arg2[%add3A_90, %dma_wait3A_94] : memref<50x4096xi32, #tpu.memory_space<hbm>> -> memref<1x4096xi32, #tpu.memory_space<hbm>>
        %dma_wait3A_96 = tpu.memref_squeeze %dma_wait3A_95 : memref<1x4096xi32, #tpu.memory_space<hbm>> -> memref<4096xi32, #tpu.memory_space<hbm>>
        tpu.wait_dma2 semaphore(%arg15 : memref<!tpu.dma_semaphore, #tpu.memory_space<semaphore_mem>>) src(%dma_wait3A_96 : memref<4096xi32, #tpu.memory_space<hbm>>) dst(%arg9 : memref<4096xi32, #tpu.memory_space<vmem>>)
        %lt3A_97 = arith.constant 24 : i32
        %lt3A_98 = arith.cmpi slt, %scan3A_60, %lt3A_97 : i32
        %convert_element_type3A_99 = arith.extui %lt3A_98 : i1 to i32
        %cond3A_100 = arith.constant 0 : i32
        %cond3A_101 = arith.cmpi ne, %convert_element_type3A_99, %cond3A_100 : i32
        scf.if %cond3A_101 {
          %add3A_118 = arith.constant 2 : i32
          %add3A_119 = arith.addi %mul3A_62, %add3A_118 : i32
          %dma_start3A_120 = arith.constant 0 : i32
          %dma_start3A_121 = tpu.memref_slice %arg2[%add3A_119, %dma_start3A_120] : memref<50x4096xi32, #tpu.memory_space<hbm>> -> memref<1x4096xi32, #tpu.memory_space<hbm>>
          %dma_start3A_122 = tpu.memref_squeeze %dma_start3A_121 : memref<1x4096xi32, #tpu.memory_space<hbm>> -> memref<4096xi32, #tpu.memory_space<hbm>>
          %dma_start3A_123 = arith.constant 0 : i32
          %dma_start3A_124 = tpu.memref_slice %arg2[%add3A_119, %dma_start3A_123] : memref<50x4096xi32, #tpu.memory_space<hbm>> -> memref<1x4096xi32, #tpu.memory_space<hbm>>
          %dma_start3A_125 = tpu.memref_squeeze %dma_start3A_124 : memref<1x4096xi32, #tpu.memory_space<hbm>> -> memref<4096xi32, #tpu.memory_space<hbm>>
          tpu.enqueue_dma source(%dma_start3A_125 : memref<4096xi32, #tpu.memory_space<hbm>>) target(%arg8 : memref<4096xi32, #tpu.memory_space<vmem>>) target_semaphore(%arg14 : memref<!tpu.dma_semaphore, #tpu.memory_space<semaphore_mem>>)
        } else {
        }
        %gt3A_102 = arith.constant 0 : i32
        %gt3A_103 = arith.cmpi sgt, %scan3A_60, %gt3A_102 : i32
        %convert_element_type3A_104 = arith.extui %gt3A_103 : i1 to i32
        %cond3A_105 = arith.constant 0 : i32
        %cond3A_106 = arith.cmpi ne, %convert_element_type3A_104, %cond3A_105 : i32
        scf.if %cond3A_106 {
          %dma_wait3A_118 = arith.constant 0 : i32
          %dma_wait3A_119 = arith.constant 0 : i32
          %dma_wait3A_120 = arith.constant 0 : i32
          %dma_wait3A_121 = tpu.memref_slice %arg5[%dma_wait3A_118, %dma_wait3A_119, %dma_wait3A_120] : memref<50x304x4096xf32, #tpu.memory_space<hbm>> -> memref<1x1x4096xf32, #tpu.memory_space<hbm>>
          %dma_wait3A_122 = tpu.memref_squeeze %dma_wait3A_121 : memref<1x1x4096xf32, #tpu.memory_space<hbm>> -> memref<4096xf32, #tpu.memory_space<hbm>>
          %dma_wait3A_123 = arith.constant 0 : i32
          %dma_wait3A_124 = tpu.memref_slice %arg5[%dma_wait3A_118, %dma_wait3A_119, %dma_wait3A_123] : memref<50x304x4096xf32, #tpu.memory_space<hbm>> -> memref<1x1x4096xf32, #tpu.memory_space<hbm>>
          %dma_wait3A_125 = tpu.memref_squeeze %dma_wait3A_124 : memref<1x1x4096xf32, #tpu.memory_space<hbm>> -> memref<4096xf32, #tpu.memory_space<hbm>>
          tpu.wait_dma2 semaphore(%arg17 : memref<!tpu.dma_semaphore, #tpu.memory_space<semaphore_mem>>) src(%arg11 : memref<4096xf32, #tpu.memory_space<vmem>>) dst(%dma_wait3A_125 : memref<4096xf32, #tpu.memory_space<hbm>>)
        } else {
        }
        %parallel_loop3A_107 = arith.constant 0 : i32
        %parallel_loop3A_108 = arith.constant 256 : i32
        %parallel_loop3A_109 = arith.constant 1 : i32
        scf.for %parallel_loop3A_118 = %parallel_loop3A_107 to %parallel_loop3A_108 step %parallel_loop3A_109  : i32 {
          %parallel_loop3A_119 = arith.constant 16 : i32
          %parallel_loop3A_120 = arith.muli %parallel_loop3A_118, %parallel_loop3A_119 : i32
          %parallel_loop3A_121 = arith.index_cast %parallel_loop3A_120 : i32 to index
          %parallel_loop3A_122 = tpu.vector_load %arg9[%parallel_loop3A_121] {strides = array<i32>} : memref<4096xi32, #tpu.memory_space<vmem>>, vector<16xi32>,
          %parallel_loop3A_123 = tpu.vector_load_idx %arg7[%parallel_loop3A_122] : memref<100016xf32, #tpu.memory_space<vmem>>[vector<16xi32>], vector<16xf32>,
          %parallel_loop3A_124 = arith.constant 16 : i32
          %parallel_loop3A_125 = arith.muli %parallel_loop3A_118, %parallel_loop3A_124 : i32
          %parallel_loop3A_126 = arith.index_cast %parallel_loop3A_125 : i32 to index
          %parallel_loop3A_127 = tpu.vector_load %arg11[%parallel_loop3A_126] {strides = array<i32>} : memref<4096xf32, #tpu.memory_space<vmem>>, vector<16xf32>,
          tpu.vector_store %arg11[%parallel_loop3A_126], %parallel_loop3A_123 {strides = array<i32>} : memref<4096xf32, #tpu.memory_space<vmem>>, vector<16xf32>,
        } {sc.loop_unroll_factor = 4 : i64, sc.parallel_access}
        %add3A_110 = arith.constant 1 : i32
        %add3A_111 = arith.addi %mul3A_62, %add3A_110 : i32
        %dma_start3A_112 = arith.constant 0 : i32
        %dma_start3A_113 = tpu.memref_slice %arg5[%add3A_111, %add3A_31, %dma_start3A_112] : memref<50x304x4096xf32, #tpu.memory_space<hbm>> -> memref<1x1x4096xf32, #tpu.memory_space<hbm>>
        %dma_start3A_114 = tpu.memref_squeeze %dma_start3A_113 : memref<1x1x4096xf32, #tpu.memory_space<hbm>> -> memref<4096xf32, #tpu.memory_space<hbm>>
        %dma_start3A_115 = arith.constant 0 : i32
        %dma_start3A_116 = tpu.memref_slice %arg5[%add3A_111, %add3A_31, %dma_start3A_115] : memref<50x304x4096xf32, #tpu.memory_space<hbm>> -> memref<1x1x4096xf32, #tpu.memory_space<hbm>>
        %dma_start3A_117 = tpu.memref_squeeze %dma_start3A_116 : memref<1x1x4096xf32, #tpu.memory_space<hbm>> -> memref<4096xf32, #tpu.memory_space<hbm>>
        tpu.enqueue_dma source(%arg11 : memref<4096xf32, #tpu.memory_space<vmem>>) target(%dma_start3A_117 : memref<4096xf32, #tpu.memory_space<hbm>>) target_semaphore(%arg17 : memref<!tpu.dma_semaphore, #tpu.memory_space<semaphore_mem>>)
      }
      %scan3A_44 = arith.constant 25 : i32
      %dma_wait3A = arith.constant 0 : i32
      %dma_wait3A_45 = arith.constant 0 : i32
      %dma_wait3A_46 = arith.constant 0 : i32
      %dma_wait3A_47 = tpu.memref_slice %arg5[%dma_wait3A, %dma_wait3A_45, %dma_wait3A_46] : memref<50x304x4096xf32, #tpu.memory_space<hbm>> -> memref<1x1x4096xf32, #tpu.memory_space<hbm>>
      %dma_wait3A_48 = tpu.memref_squeeze %dma_wait3A_47 : memref<1x1x4096xf32, #tpu.memory_space<hbm>> -> memref<4096xf32, #tpu.memory_space<hbm>>
      %dma_wait3A_49 = arith.constant 0 : i32
      %dma_wait3A_50 = tpu.memref_slice %arg5[%dma_wait3A, %dma_wait3A_45, %dma_wait3A_49] : memref<50x304x4096xf32, #tpu.memory_space<hbm>> -> memref<1x1x4096xf32, #tpu.memory_space<hbm>>
      %dma_wait3A_51 = tpu.memref_squeeze %dma_wait3A_50 : memref<1x1x4096xf32, #tpu.memory_space<hbm>> -> memref<4096xf32, #tpu.memory_space<hbm>>
      tpu.wait_dma2 semaphore(%arg16 : memref<!tpu.dma_semaphore, #tpu.memory_space<semaphore_mem>>) src(%arg10 : memref<4096xf32, #tpu.memory_space<vmem>>) dst(%dma_wait3A_51 : memref<4096xf32, #tpu.memory_space<hbm>>)
      %dma_wait3A_52 = arith.constant 0 : i32
      %dma_wait3A_53 = arith.constant 0 : i32
      %dma_wait3A_54 = arith.constant 0 : i32
      %dma_wait3A_55 = tpu.memref_slice %arg5[%dma_wait3A_52, %dma_wait3A_53, %dma_wait3A_54] : memref<50x304x4096xf32, #tpu.memory_space<hbm>> -> memref<1x1x4096xf32, #tpu.memory_space<hbm>>
      %dma_wait3A_56 = tpu.memref_squeeze %dma_wait3A_55 : memref<1x1x4096xf32, #tpu.memory_space<hbm>> -> memref<4096xf32, #tpu.memory_space<hbm>>
      %dma_wait3A_57 = arith.constant 0 : i32
      %dma_wait3A_58 = tpu.memref_slice %arg5[%dma_wait3A_52, %dma_wait3A_53, %dma_wait3A_57] : memref<50x304x4096xf32, #tpu.memory_space<hbm>> -> memref<1x1x4096xf32, #tpu.memory_space<hbm>>
      %dma_wait3A_59 = tpu.memref_squeeze %dma_wait3A_58 : memref<1x1x4096xf32, #tpu.memory_space<hbm>> -> memref<4096xf32, #tpu.memory_space<hbm>>
      tpu.wait_dma2 semaphore(%arg17 : memref<!tpu.dma_semaphore, #tpu.memory_space<semaphore_mem>>) src(%arg11 : memref<4096xf32, #tpu.memory_space<vmem>>) dst(%dma_wait3A_59 : memref<4096xf32, #tpu.memory_space<hbm>>)
    }
    return
  }
}

</mosaic_0001>

<sc_bundles>
// kernel: _sc_call.3.cloned.1.call-start
scs
__scs_entry_jumppad:
0x0: {  	(pc) =	sbr.rel $0x88, $3  }
0x1: {  	(tag) =	ssettag $0x0;
	lr =	simm.s32 $0x1  }
0x2: {  	[smem:$0x3F9E] =	sst lr;
	_ =	strace $0xD0000000  }
0x3: {  	_ = 	snop  }
0x4: {  	_ = 	snop  }
0x5: {  	_ = 	snop  }
0x6: {  	_ = 	snop  }
0x7: {  	_ = 	snop  }
__scs_overlays_trampoline_lowered:
0x8: {  	[smem:$0x3FAD] =	sst s0  }
0x9: {  	[smem:$0x3FAE] =	sst s1  }
0xa: {  	[smem:$0x3FAF] =	sst s2  }
0xb: {  	[smem:$0x3FB0] =	sst s3  }
0xc: {  	[smem:$0x3FB1] =	sst s4  }
0xd: {  	[smem:$0x3FB2] =	sst s5  }
0xe: {  	[smem:$0x3FB3] =	sst s6  }
0xf: {  	[smem:$0x3FB4] =	sst s7  }
0x10: {  	[smem:$0x3FB5] =	sst s8  }
0x11: {  	[smem:$0x3FB6] =	sst s9;
	s0 =	simm.s32 @!p0 $0x0  }
0x12: {  	s1 =	sld [smem:$0x3F9C];
	s0 =	simm.s32 @p0 $0x1  }
0x13: {  	[smem:$0x3FB7] =	sst s0;
	s0 =	simm.s32 @!p1 $0x0  }
0x14: {  	s2 =	sld [smem:$0x3F9B];
	s0 =	simm.s32 @p1 $0x1  }
0x15: {  	[smem:$0x3FB8] =	sst s0;
	s0 =	simm.s32 @!p2 $0x0  }
0x16: {  	s3 =	sld [smem:$0x3FDB];
	s0 =	simm.s32 @p2 $0x1  }
0x17: {  	s4 =	simm.s32 $0x1BF5;
	[smem:$0x3FBA] =	sst s0  }
0x18: {  	s0 =	sld [smem:$0x3F9D];
	_ =	swait.ge [sflag:s4], $0x0  }
0x19: {  	s7 =	sld [smem:$0x3F9E]  }
0x1a: {  	s8 =	sadd.s32 $0xFFFFE003, lr  }
0x1b: {  	s9 =	sadd.s32 $0xFFFFFEF7, lr;
	s5 =	simm.s32 $0xFFFFFFFF;
	p2 =	slt.u32 s8, $0xFFFFF086  }
0x1c: {  	p1 =	slt.u32 s9, $0xF7A;
	s5 =	simm.s32 @!p2 $0x0  }
0x1d: {  	s5 =	simm.s32 @p1 $0x1;
	p0 =	seq.s32 s7, s2  }
0x1e: {  	s7 =	smul.u32 @!p0 $0xF7A, s2;
	p2 =	seq.s32 @!p0 s5, $0x0  }
0x1f: {  	s9 =	smul.u32 $0xF7A, s1;
	s8 =	simm.s32 @!p0 $0x1BF5;
	p2 =	por !p2, p0  }
0x20: {  	[sflag:s8] =	ssyncset.s32 @!p0 $0xFFFFF086;
	s6 =	sadd.s32 @!p0 s3, s7;
	s7 =	simm.s32 @!p0 $0x108  }
0x21: {  	s3 =	sadd.s32 s3, s9;
	s6 =	sadd.s32 @!p0 $0x88, s6;
	s7 =	simm.s32 @p2 $0x1082  }
0x22: {  	[simem:s7], [sflag:s8] =	dma.local @!p0 [hbm:s6], $0xF7A  }
0x23: {  	s9 =	sor.u32 $0xD0000000, s2;
	s6 =	simm.s32 $0x108;
	_ =	swait.ge @!p0 [sflag:s8], $0x0  }
0x24: {  	s3 =	sadd.s32 $0x88, s3;
	s6 =	simm.s32 @!p1 $0x1082;
	[sflag:s4] =	ssyncset.s32 $0xFFFFF086  }
0x25: {  	[simem:s6], [sflag:s4] =	dma.local [hbm:s3], $0xF7A  }
0x26: {  	[smem:$0x3F9E] =	sst s1;
	(tag) =	ssettag s2;
	_ =	strace s9  }
0x27: {  	s1 =	sld [smem:$0x3FAE]  }
0x28: {  	s2 =	sld [smem:$0x3FAF]  }
0x29: {  	s4 =	sld [smem:$0x3FB1]  }
0x2a: {  	p0 =	seq.s32 s5, $0x0;
	s5 =	sld [smem:$0x3FB2]  }
0x2b: {  	s6 =	sld [smem:$0x3FB3]  }
0x2c: {  	s7 =	sld [smem:$0x3FB4]  }
0x2d: {  	s3 =	simm.s32 $0x108;
	s8 =	sld [smem:$0x3FB5]  }
0x2e: {  	s3 =	simm.s32 @!p0 $0x1082;
	s9 =	sld [smem:$0x3FB6]  }
0x2f: {  	lr =	sadd.s32 s0, s3;
	s0 =	sld [smem:$0x3FAD]  }
0x30: {  	s3 =	sld [smem:$0x3FB0]  }
0x31: {  	[smem:$0x3FB9] =	sst s10  }
0x32: {  	s10 =	sld [smem:$0x3FB7];
	_ =	sdelay $0x3  }
0x33: {  	p0 =	seq.s32 s10, $0x1;
	s10 =	sld [smem:$0x3FB9];
	_ =	sdelay $0x3  }
0x34: {  	[smem:$0x3FB9] =	sst s10  }
0x35: {  	s10 =	sld [smem:$0x3FB8];
	_ =	sdelay $0x3  }
0x36: {  	p1 =	seq.s32 s10, $0x1;
	s10 =	sld [smem:$0x3FB9];
	_ =	sdelay $0x3  }
0x37: {  	[smem:$0x3FB9] =	sst s10  }
0x38: {  	s10 =	sld [smem:$0x3FBA]  }
0x39: {  	_ = 	snop;
	(pc) =	sbr.ind lr, $3  }
0x3a: {  	_ = 	snop  }
0x3b: {  	_ = 	snop  }
0x3c: {  	p2 =	seq.s32 s10, $0x1;
	s10 =	sld [smem:$0x3FB9]  }
0x3d: {  	_ =	shalt  }
0x3e: {  	_ =	shalt  }
0x3f: {  	_ =	shalt  }
0x40: {  	_ =	shalt  }
0x41: {  	_ =	shalt  }
0x42: {  	_ =	shalt  }
0x43: {  	_ =	shalt  }
0x44: {  	_ =	shalt  }
0x45: {  	_ =	shalt  }
0x46: {  	_ =	shalt  }
0x47: {  	_ =	shalt  }
0x48: {  	_ =	shalt  }
0x49: {  	_ =	shalt  }
0x4a: {  	_ =	shalt  }
0x4b: {  	_ =	shalt  }
0x4c: {  	_ =	shalt  }
0x4d: {  	_ =	shalt  }
0x4e: {  	_ =	shalt  }
0x4f: {  	_ =	shalt  }
0x50: {  	_ =	shalt  }
0x51: {  	_ =	shalt  }
0x52: {  	_ =	shalt  }
0x53: {  	_ =	shalt  }
0x54: {  	_ =	shalt  }
0x55: {  	_ =	shalt  }
0x56: {  	_ =	shalt  }
0x57: {  	_ =	shalt  }
0x58: {  	_ =	shalt  }
0x59: {  	_ =	shalt  }
0x5a: {  	_ =	shalt  }
0x5b: {  	_ =	shalt  }
0x5c: {  	_ =	shalt  }
0x5d: {  	_ =	shalt  }
0x5e: {  	_ =	shalt  }
0x5f: {  	_ =	shalt  }
0x60: {  	_ =	shalt  }
0x61: {  	_ =	shalt  }
0x62: {  	_ =	shalt  }
0x63: {  	_ =	shalt  }
0x64: {  	_ =	shalt  }
0x65: {  	_ =	shalt  }
0x66: {  	_ =	shalt  }
0x67: {  	_ =	shalt  }
0x68: {  	_ =	shalt  }
0x69: {  	_ =	shalt  }
0x6a: {  	_ =	shalt  }
0x6b: {  	_ =	shalt  }
0x6c: {  	_ =	shalt  }
0x6d: {  	_ =	shalt  }
0x6e: {  	_ =	shalt  }
0x6f: {  	_ =	shalt  }
0x70: {  	_ =	shalt  }
0x71: {  	_ =	shalt  }
0x72: {  	_ =	shalt  }
0x73: {  	_ =	shalt  }
0x74: {  	_ =	shalt  }
0x75: {  	_ =	shalt  }
0x76: {  	_ =	shalt  }
0x77: {  	_ =	shalt  }
0x78: {  	_ =	shalt  }
0x79: {  	_ =	shalt  }
0x7a: {  	_ =	shalt  }
0x7b: {  	_ =	shalt  }
0x7c: {  	_ =	shalt  }
0x7d: {  	_ =	shalt  }
0x7e: {  	_ =	shalt  }
0x7f: {  	_ =	shalt  }
0x80: {  	_ =	shalt  }
0x81: {  	_ =	shalt  }
0x82: {  	_ =	shalt  }
0x83: {  	_ =	shalt  }
0x84: {  	_ =	shalt  }
0x85: {  	_ =	shalt  }
0x86: {  	_ =	shalt  }
0x87: {  	_ =	shalt  }
.Lfunc_end0:
.L_simem_size_0:
called_computation_lowered:
.L_overlay_start_0:
0x88: {  	s2 =	sld [smem:$0x3FD9]  }
0x89: {  	s3 =	sld [smem:$0x3FFE];
	_ =	sdelay $0x1  }
0x8a: {  	s1 =	srdreg.scid  }
0x8b: {  	s0 =	sand.u32 $0x1, s1  }
0x8c: {  	s15 =	sshll.u32 s0, $0xA;
	s2 =	sadd.s32 s3, s2  }
0x8d: {  	s2 =	sadd.s32 s2, s15  }
0x8e: {  	[smem:$0x3FC5] =	sst s2  }
0x8f: {  	_ = 	snop  }
0x90: {  	s2 =	sld [smem:$0x3FD0]  }
0x91: {  	s16 =	sld [smem:$0x3FC9]  }
0x92: {  	s4 =	sld [smem:$0x3FC8]  }
0x93: {  	s6 =	simm.s32 $0xA;
	s7 =	simm.s32 $0x10;
	s5 =	sld [smem:$0x3FC7]  }
0x94: {  	[smem:s7], [sflag:s6] =	dma.local [hbm:s2], $0x1  }
0x95: {  	_ =	swait.eq [sflag:s6], $0x1  }
0x96: {  	[sflag:s6] =	ssyncset.done $0x0  }
0x97: {  	s17 =	sld [smem:$0x10];
	[sflag:s6] =	ssyncadd.s32 $0xFFFFFFFF  }
0x98: {  	s18 =	sld [smem:$0x11];
	(tm) =	ssettm $0x1  }
0x99: {  	s19 =	sld [smem:$0x3FFB];
	_ =	sdelay $0x3  }
0x9a: {  	_ =	strace s19  }
0x9b: {  	s7 =	sld [smem:$0x3FFC];
	_ =	sdelay $0x3  }
0x9c: {  	_ =	strace s7  }
0x9d: {  	s7 =	sld [smem:$0x3FFD];
	_ =	sdelay $0x3  }
0x9e: {  	_ =	strace s7  }
0x9f: {  	_ =	strace $0x8FFFFFFF  }
0xa0: {  	s20 =	sld [smem:$0x3FDB];
	_ =	sdelay $0x1  }
0xa1: {  	s8 =	simm.s32 $_scs_section_size  }
0xa2: {  	s9 =	simm.s32 $_size__tile_overlayer_lowered;
	s10 =	simm.s32 $_tile_overlayer_lowered  }
0xa3: {  	s23 =	simm.s32 $0x1BFF;
	s22 =	sshll.u32 s10, $0x1;
	s7 =	sadd.s32 s8, s20  }
0xa4: {  	s11 =	simm.s32 $0x0;
	s21 =	sshll.u32 s9, $0x1;
	s9 =	sadd.s32 s22, s7  }
0xa5: {  	[timem:s11], [sflag:s23] =	dma.local [hbm:s9], s21  }
0xa6: {  	_ =	swait.ge [sflag:s23], s21  }
0xa7: {  	s8 =	ssub.s32 $0x0, s21;
	[sflag:s23] =	ssyncset.done $0x0  }
0xa8: {  	[sflag:s23] =	ssyncadd.s32 s8;
	_ =	sdelay $0x1  }
0xa9: {  	s24 =	simm.s32 $0x1B8B  }
0xaa: {  	_ =	swait.ge [sflag:s24], $0x1  }
0xab: {  	[sflag:s24] =	ssyncset.done $0x0  }
0xac: {  	s25 =	simm.s32 $0x1B8E;
	[sflag:s24] =	ssyncadd.s32 $0xFFFFFFFF  }
0xad: {  	s26 =	simm.s32 $execute0_lowered;
	[smem:$0x3FD2] =	sst s25  }
0xae: {  	s8 =	sshll.u32 s26, $0x1;
	_ =	strace $0x80000046;
	[dreg:$0x1] =	wrdreg $0xFFFFFFFF  }
0xaf: {  	s28 =	simm.s32 $_size_execute0_lowered;
	s7 =	sadd.s32 s7, s8;
	[dreg:$0x0] =	wrdreg $0x0  }
0xb0: {  	s8 =	sshll.u32 s28, $0x1;
	[dreg:$0x2] =	wrdreg s7  }
0xb1: {  	[dreg:$0x3] =	wrdreg s8  }
0xb2: {  	[dreg:$0x4] =	wrdreg $0xC0  }
0xb3: {  	_ =	task [dreg:s11], $0x5FFFF  }
0xb4: {  	[dreg:$0x1] =	wrdreg $0xFFFFFFFF  }
0xb5: {  	[dreg:$0x0] =	wrdreg $0x60  }
0xb6: {  	[dreg:$0x2] =	wrdreg s16  }
0xb7: {  	[dreg:$0x3] =	wrdreg s4  }
0xb8: {  	[dreg:$0x4] =	wrdreg s5  }
0xb9: {  	[dreg:$0x5] =	wrdreg s17  }
0xba: {  	[dreg:$0x6] =	wrdreg s18  }
0xbb: {  	[dreg:$0x7] =	wrdreg $0x9  }
0xbc: {  	_ =	task.clear_ibuf [dreg:s11], $0x8FFFF;
	_ =	strace $0x90000046  }
0xbd: {  	s29 =	simm.s32 $0x9;
	_ =	strace $0x80000048  }
0xbe: {  	_ =	swait.ge [sflag:s29], $0x1  }
0xbf: {  	[sflag:s29] =	ssyncadd.s32 $0xFFFFFFFF  }
0xc0: {  	_ =	strace $0x90000048  }
0xc1: {  	_ =	sfence  }
0xc2: {  	s30 =	sld [smem:$0x0];
	_ =	sdelay $0x2  }
0xc3: {  	s31 =	sshll.u32 s1, $0xD;
	s1 =	sshrl.u32 s1, $0x2  }
0xc4: {  	s3 =	sand.u32 $0x4000, s31;
	s1 =	sadd.s32 s1, s30  }
0xc5: {  	s0 =	sor.u32 s3, s0;
	s1 =	sshll.u32 s1, $0x11  }
0xc6: {  	s0 =	sor.u32 s1, s0  }
0xc7: {  	s0 =	sadd.s32 $0x8F2B, s0  }
0xc8: {  	[sflag:s0] =	ssyncadd.remote.s32 $0x1  }
0xc9: {  	_ =	sfence.sel $0xFFFF  }
0xca: {  	[dreg:$0x0] =	wrdreg $0xFFFFFFFF;
	(pc) =	sbr.abs _section_cstart, $3  }
0xcb: {  	[dreg:$0x1] =	wrdreg $0xFFFFFFFF  }
0xcc: {  	_ =	task.clear_ibuf [dreg:s11], $0x2FFFF;
	_ =	strace $0x9FFFFFFF  }
0xcd: {  	(tm) =	ssettm $0x7FFFFFFF  }
tec
execute0_lowered:
.L_overlay_start_1:
0x0: {  	(tag) =	ssettag $0x1  }
0x1: {  	s1 =	rddreg [dreg:$0x0]  }
0x2: {  	s3 =	rddreg [dreg:$0x2]  }
0x3: {  	s4 =	rddreg [dreg:$0x3]  }
0x4: {  	s0 =	rddreg [dreg:$0x4];
	s6 =	simm.s32 $0x0;
	s2 =	srdreg.scid  }
0x5: {  	s15 =	stileid.u32;
	s14 =	simm.s32 $0x5;
	s16 =	simm.s32 $0x400  }
0x6: {  	s17 =	simm.s32 $0x1A700;
	s18 =	simm.s32 $0x18700;
	s19 =	simm.s32 $0x1  }
0x7: {  	s20 =	simm.s32 $0x19700;
	s21 =	simm.s32 $0x2;
	s22 =	simm.s32 $0x1B700  }
0x8: {  	s23 =	simm.s32 $0x3;
	s24 =	simm.s32 $0x4;
	s25 =	simm.s32 $0x0  }
0x9: {  	[smem:$0x7FF] =	sst s6;
	s2 =	sand.u32 $0x1, s2;
	s5 =	sshll.u32 s15, $0x1  }
0xa: {  	s29 =	sshll.u32 s15, $0xD;
	p0 =	slt.u32 s15, $0x6;
	s7 =	sor.u32 s2, s5  }
0xb: {  	_ =	strace $0x80000047;
	s8 =	ssub.s32 $0x2, s2;
	s5 =	sshll.u32 s7, $0x7  }
0xc: {  	s13 =	sor.u32 $0x20, s7;
	s9 =	sshrl.u32 s8, $0x1;
	s2 =	sor.u32 s29, s5  }
0xd: {  	s10 =	sshll.u32 s13, $0xC;
	s12 =	ssub.s32 s8, s9;
	s8 =	sand.u32 $0x380, s5  }
0xe: {  	s9 =	simm.s32 $0xA;
	s2 =	sand.u32 $0x18380, s2;
	s30 =	sor.u32 s5, s10  }
0xf: {  	s9 =	simm.s32 @!p0 $0x9;
	s12 =	smax.u32 s12, $0x1;
	s31 =	sand.u32 $0x38380, s30  }
0x10: {  	v2 =	vimm.f32 $0.0e+00;
	p0 =	sgt.u32 s15, $0x8;
	s2 =	sshrl.u32 s2, $0x3;
	s5 =	sshrl.u32 s31, $0x3  }
0x11: {  	v3 =	vimm.s32 $0x0;
	v0 =	vmov s7;
	v1 =	vmov s13;
	s15 =	simm.s32 $0x80;
	s10 =	sadd.s32 s0, s2;
	s11 =	sadd.s32 s0, s5  }
.LBB2_1:
0x12: {  	[tilespmem:$0x186A0] =	vst v2;
	s0 =	rddreg [dreg:$0x1];
	s2 =	simm.s32 $0x1C700  }
0x13: {  	[tilespmem:s2], [sflag:$0x5] =	stream.linear.gather [hbm4b:s0+s6], $0x1000, $0x38;
	[tilespmem:$0x1D700] =	vst v63  }
0x14: {  	_ =	swait.ge [sflag:s14], $0x1000  }
0x15: {  	[sflag:s14] =	ssyncset.done $0x0  }
0x16: {  	s31 =	simm.s32 $0x1C720;
	[sflag:s14] =	ssyncadd.s32 $0xFFFFF000  }
0x17: {  	v4 =	vld [tilespmem:s31+$0xFFFFFFE0]  }
0x18: {  	v6 =	vld [tilespmem:s31+$0x10]  }
0x19: {  	v7 =	vld [tilespmem:s31+$0x0]  }
0x1a: {  	v8 =	vld [tilespmem:s31+$0xFFFFFFF0];
	_ =	sdelay $0x1  }
0x1b: {  	s26 =	simm.s32 $0x1C760;
	vm0 =	vlt.s32 v0, v4  }
0x1c: {  	s0 =	simm.s32 $0x1A720;
	v5 =	vld [tilespmem:s26+$0xFFFFFFE0];
	vm14 =	vlt.s32 v0, v6;
	v9 =	vsel vm0, $0x3F800000, v3  }
0x1d: {  	v4 =	vld [tilespmem:s26+$0x10];
	vm1 =	vlt.s32 v0, v7;
	v7 =	vsel vm14, $0x3F800000, v3;
	[tilespmem:s0+$0xFFFFFFE0] =	vst v9  }
0x1e: {  	v6 =	vld [tilespmem:s26+$0x0];
	vm15 =	vlt.s32 v0, v8;
	v9 =	vsel vm1, $0x3F800000, v3;
	[tilespmem:s0+$0x10] =	vst v7  }
0x1f: {  	s2 =	simm.s32 $0x4;
	v8 =	vsel vm15, $0x3F800000, v3;
	v7 =	vld [tilespmem:s26+$0xFFFFFFF0];
	[tilespmem:s0+$0x0] =	vst v9  }
.LBB2_2:
0x20: {  	s2 =	sadd.s32 $0x4, s2  }
0x21: {  	[tilespmem:s0+$0xFFFFFFF0] =	vst v8;
	s0 =	sadd.s32 $0x40, s0;
	p1 =	slt.u32 s2, $0xFC  }
.Ltmp0:
0x22: {  	s26 =	sadd.s32 $0x40, s26;
	vm0 =	vlt.s32 v0, v5;
	(pc) =	sbr.rel @p1 .LBB2_2-.Ltmp0, $4  }
0x23: {  	v5 =	vld [tilespmem:s26+$0xFFFFFFE0];
	v8 =	vsel vm0, $0x3F800000, v3;
	vm0 =	vlt.s32 v0, v4  }
0x24: {  	v4 =	vld [tilespmem:s26+$0x10];
	[tilespmem:s0+$0xFFFFFFE0] =	vst v8;
	vm1 =	vlt.s32 v0, v6;
	v8 =	vsel vm0, $0x3F800000, v3  }
0x25: {  	v6 =	vld [tilespmem:s26+$0x0];
	vm0 =	vlt.s32 v0, v7;
	v9 =	vsel vm1, $0x3F800000, v3;
	[tilespmem:s0+$0x10] =	vst v8  }
0x26: {  	v7 =	vld [tilespmem:s26+$0xFFFFFFF0];
	v8 =	vsel vm0, $0x3F800000, v3;
	[tilespmem:s0+$0x0] =	vst v9  }
0x27: {  	_ = 	snop  }
0x28: {  	vm0 =	vlt.s32 v0, v5  }
0x29: {  	[tilespmem:s0+$0xFFFFFFF0] =	vst v8;
	s31 =	sadd.s32 $0x40, s0;
	v5 =	vsel vm0, $0x3F800000, v3;
	vm14 =	vlt.s32 v0, v4  }
0x2a: {  	[tilespmem:s31+$0xFFFFFFE0] =	vst v5;
	vm1 =	vlt.s32 v0, v6;
	v4 =	vsel vm14, $0x3F800000, v3  }
0x2b: {  	vm15 =	vlt.s32 v0, v7;
	v5 =	vsel vm1, $0x3F800000, v3;
	[tilespmem:s31+$0x10] =	vst v4  }
0x2c: {  	v4 =	vsel vm15, $0x3F800000, v3;
	[tilespmem:s31+$0x0] =	vst v5  }
.Ltmp1:
0x2d: {  	[tilespmem:s31+$0xFFFFFFF0] =	vst v4;
	(pc) =	sbr.rel @p0 .LBB2_7-.Ltmp1, $4  }
0x2e: {  	[hbm4b:s10+s15] =	stream.strided.scatter [tilespmem:s17], [sflag:$0x5], $0x1000, s16, s15, $0x38;
	[tilespmem:$0x1D700] =	vst v63  }
0x2f: {  	_ =	swait.ge [sflag:s14], $0x1000  }
0x30: {  	[sflag:s14] =	ssyncset.done $0x0  }
0x31: {  	[sflag:s14] =	ssyncadd.s32 $0xFFFFF000  }
0x32: {  	s0 =	simm.s32 $0x1C720  }
0x33: {  	v4 =	vld [tilespmem:s0+$0xFFFFFFE0]  }
0x34: {  	v6 =	vld [tilespmem:s0+$0x10]  }
0x35: {  	v7 =	vld [tilespmem:s0+$0x0]  }
0x36: {  	v8 =	vld [tilespmem:s0+$0xFFFFFFF0];
	_ =	sdelay $0x1  }
0x37: {  	s26 =	simm.s32 $0x1C760;
	vm0 =	vlt.s32 v1, v4  }
0x38: {  	s0 =	simm.s32 $0x1A720;
	v5 =	vld [tilespmem:s26+$0xFFFFFFE0];
	vm14 =	vlt.s32 v1, v6;
	v9 =	vsel vm0, $0x3F800000, v3  }
0x39: {  	v4 =	vld [tilespmem:s26+$0x10];
	vm1 =	vlt.s32 v1, v7;
	v7 =	vsel vm14, $0x3F800000, v3;
	[tilespmem:s0+$0xFFFFFFE0] =	vst v9  }
0x3a: {  	v6 =	vld [tilespmem:s26+$0x0];
	vm15 =	vlt.s32 v1, v8;
	v9 =	vsel vm1, $0x3F800000, v3;
	[tilespmem:s0+$0x10] =	vst v7  }
0x3b: {  	s2 =	simm.s32 $0x4;
	v8 =	vsel vm15, $0x3F800000, v3;
	v7 =	vld [tilespmem:s26+$0xFFFFFFF0];
	[tilespmem:s0+$0x0] =	vst v9  }
.LBB2_5:
0x3c: {  	s2 =	sadd.s32 $0x4, s2  }
0x3d: {  	[tilespmem:s0+$0xFFFFFFF0] =	vst v8;
	s0 =	sadd.s32 $0x40, s0;
	p1 =	slt.u32 s2, $0xFC  }
.Ltmp2:
0x3e: {  	s26 =	sadd.s32 $0x40, s26;
	vm0 =	vlt.s32 v1, v5;
	(pc) =	sbr.rel @p1 .LBB2_5-.Ltmp2, $4  }
0x3f: {  	v5 =	vld [tilespmem:s26+$0xFFFFFFE0];
	v8 =	vsel vm0, $0x3F800000, v3;
	vm0 =	vlt.s32 v1, v4  }
0x40: {  	v4 =	vld [tilespmem:s26+$0x10];
	[tilespmem:s0+$0xFFFFFFE0] =	vst v8;
	vm1 =	vlt.s32 v1, v6;
	v8 =	vsel vm0, $0x3F800000, v3  }
0x41: {  	v6 =	vld [tilespmem:s26+$0x0];
	vm0 =	vlt.s32 v1, v7;
	v9 =	vsel vm1, $0x3F800000, v3;
	[tilespmem:s0+$0x10] =	vst v8  }
0x42: {  	v7 =	vld [tilespmem:s26+$0xFFFFFFF0];
	v8 =	vsel vm0, $0x3F800000, v3;
	[tilespmem:s0+$0x0] =	vst v9  }
0x43: {  	_ = 	snop  }
0x44: {  	vm0 =	vlt.s32 v1, v5  }
0x45: {  	[tilespmem:s0+$0xFFFFFFF0] =	vst v8;
	s31 =	sadd.s32 $0x40, s0;
	v5 =	vsel vm0, $0x3F800000, v3;
	vm14 =	vlt.s32 v1, v4  }
0x46: {  	[tilespmem:s31+$0xFFFFFFE0] =	vst v5;
	vm1 =	vlt.s32 v1, v6;
	v4 =	vsel vm14, $0x3F800000, v3  }
0x47: {  	vm15 =	vlt.s32 v1, v7;
	v5 =	vsel vm1, $0x3F800000, v3;
	[tilespmem:s31+$0x10] =	vst v4  }
0x48: {  	v4 =	vsel vm15, $0x3F800000, v3;
	[tilespmem:s31+$0x0] =	vst v5  }
0x49: {  	[tilespmem:s31+$0xFFFFFFF0] =	vst v4  }
0x4a: {  	[hbm4b:s11+s15] =	stream.strided.scatter [tilespmem:s17], [sflag:$0x5], $0x1000, s16, s15, $0x38;
	[tilespmem:$0x1D700] =	vst v63  }
0x4b: {  	_ =	swait.ge [sflag:s14], $0x1000  }
0x4c: {  	[sflag:s14] =	ssyncset.done $0x0  }
0x4d: {  	[sflag:s14] =	ssyncadd.s32 $0xFFFFF000  }
.LBB2_7:
0x4e: {  	s26 =	simm.s32 $0x0;
	s28 =	simm.s32 $0x0  }
.LBB2_8:
0x4f: {  	s0 =	sshll.u32 s28, $0x5  }
0x50: {  	s0 =	sor.u32 s7, s0  }
0x51: {  	s2 =	smul.u32 $0x186A0, s0  }
0x52: {  	[tilespmem:s18], [sflag:$0x1] =	stream.strided.gather [hbm4b:s1+s15], $0x1000, s16, s15, $0x38;
	[tilespmem:$0x1D700] =	vst v63  }
0x53: {  	s2 =	sshrl.u32 s2, $0x3  }
0x54: {  	s2 =	sadd.s32 s3, s2  }
0x55: {  	[tilespmem:s26], [sflag:$0x5] =	stream.linear.gather [hbm4b:s2+s26], $0x186A0, $0x38;
	[tilespmem:$0x1D700] =	vst v63  }
0x56: {  	s0 =	sshll.u32 s0, $0xC;
	_ =	swait.ge [sflag:s14], $0x186A0  }
0x57: {  	s0 =	sand.u32 $0xFFFF8000, s0;
	[sflag:s14] =	ssyncset.done $0x0  }
0x58: {  	s30 =	simm.s32 $0x0;
	s29 =	sor.u32 s8, s0;
	[sflag:s14] =	ssyncadd.s32 $0xFFFE7960  }
.LBB2_9:
0x59: {  	s31 =	sshllo.u32 s30, $0x1;
	s0 =	sshll.u32 s30, $0xA  }
0x5a: {  	_ =	swait.ge [sflag:s19], $0x1000;
	s0 =	sand.u32 $0x7000, s0;
	s2 =	sshll.u32 s31, $0x4  }
0x5b: {  	[sflag:s19] =	ssyncset.done $0x0;
	s2 =	sand.u32 $0x70, s2;
	s0 =	sadd.s32 s1, s0  }
0x5c: {  	p1 =	seq.s32 s30, $0x0;
	[sflag:s19] =	ssyncadd.s32 $0xFFFFF000;
	s0 =	sadd.s32 s2, s0  }
0x5d: {  	[tilespmem:s20], [sflag:$0x2] =	stream.strided.gather [hbm4b:s0+s15], $0x1000, s16, s15, $0x38;
	[tilespmem:$0x1D700] =	vst v63  }
0x5e: {  	s0 =	simm.s32 @!p1 $0x3  }
0x5f: {  	_ =	swait.ge @!p1 [sflag:s0], $0x1000  }
0x60: {  	[sflag:s0] =	ssyncset.done @!p1 $0x0  }
0x61: {  	s5 =	simm.s32 $0x18720;
	[sflag:s0] =	ssyncadd.s32 @!p1 $0xFFFFF000  }
0x62: {  	v4 =	vld [tilespmem:s5+$0x10];
	_ =	sdelay $0x1  }
0x63: {  	v6 =	vld [tilespmem:s5+$0xFFFFFFE0]  }
0x64: {  	v7 =	vld [tilespmem:s5+$0xFFFFFFF0]  }
0x65: {  	s13 =	simm.s32 $0x18760;
	v8 =	vld [tilespmem:s5+$0x0]  }
0x66: {  	v11 =	vld [tilespmem:s13+$0x10]  }
0x67: {  	v5 =	vld [tilespmem:s13+$0xFFFFFFF0]  }
0x68: {  	v10 =	vld [tilespmem:s13+$0xFFFFFFE0]  }
0x69: {  	v12 =	vld.idx.msk [tilespmem:v4+s6+$0x0], $0xffff  }
0x6a: {  	v4 =	vld [tilespmem:s13+$0x0]  }
0x6b: {  	v9 =	vld.idx.msk [tilespmem:v6+s6+$0x0], $0xffff  }
0x6c: {  	v6 =	vld.idx.msk [tilespmem:v7+s6+$0x0], $0xffff  }
0x6d: {  	s5 =	simm.s32 $0x1A720;
	v7 =	vld.idx.msk [tilespmem:v8+s6+$0x0], $0xffff  }
0x6e: {  	s2 =	simm.s32 $0x4;
	s0 =	sshll.u32 s30, $0x1;
	v8 =	vld.idx.msk [tilespmem:v11+s6+$0x0], $0xffff;
	s13 =	simm.s32 $0x187A0;
	[tilespmem:s5+$0x10] =	vst v12  }
.LBB2_10:
0x6f: {  	v11 =	vld [tilespmem:s13+$0x10];
	s2 =	sadd.s32 $0x4, s2  }
0x70: {  	v12 =	vld [tilespmem:s13+$0xFFFFFFF0];
	p1 =	slt.u32 s2, $0xFC;
	[tilespmem:s5+$0xFFFFFFE0] =	vst v9  }
0x71: {  	v13 =	vld [tilespmem:s13+$0x0];
	[tilespmem:s5+$0xFFFFFFF0] =	vst v6  }
0x72: {  	v14 =	vld [tilespmem:s13+$0xFFFFFFE0];
	[tilespmem:s5+$0x0] =	vst v7  }
.Ltmp3:
0x73: {  	s5 =	sadd.s32 $0x40, s5;
	v9 =	vld.idx.msk [tilespmem:v10+s6+$0x0], $0xffff;
	(pc) =	sbr.rel @p1 .LBB2_10-.Ltmp3, $4  }
0x74: {  	v6 =	vld.idx.msk [tilespmem:v5+s6+$0x0], $0xffff;
	[tilespmem:s5+$0x10] =	vst v8  }
0x75: {  	v7 =	vld.idx.msk [tilespmem:v4+s6+$0x0], $0xffff;
	v5 =	vmov v12  }
0x76: {  	v4 =	vmov v13  }
0x77: {  	s13 =	sadd.s32 $0x40, s13;
	v8 =	vld.idx.msk [tilespmem:v11+s6+$0x0], $0xffff;
	v10 =	vmov v14  }
0x78: {  	_ =	sdelay $0x3  }
0x79: {  	v10 =	vld.idx.msk [tilespmem:v10+s6+$0x0], $0xffff  }
0x7a: {  	[tilespmem:s5+$0xFFFFFFE0] =	vst v9;
	v5 =	vld.idx.msk [tilespmem:v5+s6+$0x0], $0xffff  }
0x7b: {  	v4 =	vld.idx.msk [tilespmem:v4+s6+$0x0], $0xffff;
	s13 =	smul.u32 $0x260000, s30;
	[tilespmem:s5+$0xFFFFFFF0] =	vst v6  }
0x7c: {  	s2 =	sadd.s32 $0x40, s5;
	[tilespmem:s5+$0x0] =	vst v7  }
0x7d: {  	s5 =	sadd.s32 s29, s13;
	[tilespmem:s2+$0x10] =	vst v8  }
0x7e: {  	p1 =	seq.s32 s30, $0x18;
	s5 =	sshrl.u32 s5, $0x3;
	[tilespmem:s2+$0xFFFFFFE0] =	vst v10  }
0x7f: {  	s0 =	sadd.s32 @!p1 $0x2, s0;
	p2 =	seq.s32 @!p1 s30, $0x0;
	s13 =	sadd.s32 s4, s5;
	[tilespmem:s2+$0xFFFFFFF0] =	vst v5  }
0x80: {  	s5 =	simm.s32 @!p1 $0x400;
	[tilespmem:s2+$0x0] =	vst v4;
	s2 =	sshll.u32 @!p1 s0, $0x4;
	s0 =	sshll.u32 @!p1 s0, $0x9  }
0x81: {  	[hbm4b:s13+s15] =	stream.strided.scatter [tilespmem:s17], [sflag:$0x3], $0x1000, s16, s15, $0x38;
	[tilespmem:$0x1D700] =	vst v63  }
0x82: {  	s2 =	sand.u32 @!p1 $0x60, s2;
	s0 =	sand.u32 @!p1 $0xF000, s0;
	_ =	swait.ge [sflag:s21], $0x1000  }
0x83: {  	s13 =	simm.s32 @!p1 $0x18700;
	s2 =	sadd.s32 @!p1 s1, s2;
	[sflag:s21] =	ssyncset.done $0x0  }
0x84: {  	s0 =	sadd.s32 @!p1 s0, s2;
	s2 =	simm.s32 @!p1 $0x80;
	[sflag:s21] =	ssyncadd.s32 $0xFFFFF000  }
0x85: {  	[tilespmem:s13], [sflag:$0x1] =	stream.strided.gather @!p1 [hbm4b:s0+s2], $0x1000, s5, s2, $0x38;
	[tilespmem:$0x1D700] =	vst v63  }
0x86: {  	p1 =	por p1, !p2  }
0x87: {  	_ =	swait.ge @p1 [sflag:s24], $0x1000  }
0x88: {  	[sflag:s24] =	ssyncset.done @p1 $0x0  }
0x89: {  	s5 =	simm.s32 $0x19720;
	[sflag:s24] =	ssyncadd.s32 @p1 $0xFFFFF000  }
0x8a: {  	v4 =	vld [tilespmem:s5+$0x10];
	_ =	sdelay $0x1  }
0x8b: {  	v6 =	vld [tilespmem:s5+$0xFFFFFFE0]  }
0x8c: {  	v7 =	vld [tilespmem:s5+$0xFFFFFFF0]  }
0x8d: {  	s13 =	simm.s32 $0x19760;
	v8 =	vld [tilespmem:s5+$0x0]  }
0x8e: {  	v11 =	vld [tilespmem:s13+$0x10]  }
0x8f: {  	v5 =	vld [tilespmem:s13+$0xFFFFFFF0]  }
0x90: {  	v10 =	vld [tilespmem:s13+$0xFFFFFFE0]  }
0x91: {  	v12 =	vld.idx.msk [tilespmem:v4+s6+$0x0], $0xffff  }
0x92: {  	v4 =	vld [tilespmem:s13+$0x0]  }
0x93: {  	v9 =	vld.idx.msk [tilespmem:v6+s6+$0x0], $0xffff  }
0x94: {  	v7 =	vld.idx.msk [tilespmem:v7+s6+$0x0], $0xffff  }
0x95: {  	s0 =	simm.s32 $0x1B720;
	v8 =	vld.idx.msk [tilespmem:v8+s6+$0x0], $0xffff  }
0x96: {  	s2 =	simm.s32 $0x4;
	s5 =	simm.s32 $0x197A0;
	v6 =	vld.idx.msk [tilespmem:v11+s6+$0x0], $0xffff;
	[tilespmem:s0+$0x10] =	vst v12  }
.LBB2_12:
0x97: {  	v11 =	vld [tilespmem:s5+$0x10];
	s2 =	sadd.s32 $0x4, s2  }
0x98: {  	v12 =	vld [tilespmem:s5+$0xFFFFFFF0];
	p1 =	slt.u32 s2, $0xFC;
	[tilespmem:s0+$0xFFFFFFE0] =	vst v9  }
0x99: {  	v13 =	vld [tilespmem:s5+$0x0];
	[tilespmem:s0+$0xFFFFFFF0] =	vst v7  }
0x9a: {  	v14 =	vld [tilespmem:s5+$0xFFFFFFE0];
	[tilespmem:s0+$0x0] =	vst v8  }
.Ltmp4:
0x9b: {  	s0 =	sadd.s32 $0x40, s0;
	v9 =	vld.idx.msk [tilespmem:v10+s6+$0x0], $0xffff;
	(pc) =	sbr.rel @p1 .LBB2_12-.Ltmp4, $4  }
0x9c: {  	v7 =	vld.idx.msk [tilespmem:v5+s6+$0x0], $0xffff;
	[tilespmem:s0+$0x10] =	vst v6  }
0x9d: {  	v8 =	vld.idx.msk [tilespmem:v4+s6+$0x0], $0xffff;
	v5 =	vmov v12  }
0x9e: {  	v4 =	vmov v13  }
0x9f: {  	s5 =	sadd.s32 $0x40, s5;
	v6 =	vld.idx.msk [tilespmem:v11+s6+$0x0], $0xffff;
	v10 =	vmov v14  }
0xa0: {  	_ =	sdelay $0x3  }
0xa1: {  	v10 =	vld.idx.msk [tilespmem:v10+s6+$0x0], $0xffff  }
0xa2: {  	[tilespmem:s0+$0xFFFFFFE0] =	vst v9;
	v5 =	vld.idx.msk [tilespmem:v5+s6+$0x0], $0xffff  }
0xa3: {  	v4 =	vld.idx.msk [tilespmem:v4+s6+$0x0], $0xffff;
	s30 =	sadd.s32 $0x1, s30;
	[tilespmem:s0+$0xFFFFFFF0] =	vst v7  }
0xa4: {  	s13 =	sadd.s32 $0x40, s0;
	s2 =	smul.u32 $0x130000, s31;
	p1 =	sne.s32 s30, $0x19;
	[tilespmem:s0+$0x0] =	vst v8  }
.Ltmp5:
0xa5: {  	[tilespmem:s13+$0x10] =	vst v6;
	(pc) =	sbr.rel @p1 .LBB2_9-.Ltmp5, $4  }
0xa6: {  	s2 =	sadd.s32 s29, s2;
	[tilespmem:s13+$0xFFFFFFE0] =	vst v10  }
0xa7: {  	s2 =	sshrl.u32 s2, $0x3;
	[tilespmem:s13+$0xFFFFFFF0] =	vst v5  }
0xa8: {  	s31 =	sadd.s32 s4, s2;
	[tilespmem:s13+$0x0] =	vst v4  }
0xa9: {  	[hbm4b:s31+s15] =	stream.strided.scatter [tilespmem:s22], [sflag:$0x4], $0x1000, s16, s15, $0x38;
	[tilespmem:$0x1D700] =	vst v63  }
0xaa: {  	s28 =	sadd.s32 $0x1, s28  }
0xab: {  	_ =	swait.ge [sflag:s23], $0x1000;
	p1 =	sne.s32 s28, s9  }
.Ltmp6:
0xac: {  	[sflag:s23] =	ssyncset.done $0x0;
	(pc) =	sbr.rel @p1 .LBB2_8-.Ltmp6, $4  }
0xad: {  	[sflag:s23] =	ssyncadd.s32 $0xFFFFF000  }
0xae: {  	_ =	swait.ge [sflag:s24], $0x1000  }
0xaf: {  	[sflag:s24] =	ssyncset.done $0x0  }
0xb0: {  	[sflag:s24] =	ssyncadd.s32 $0xFFFFF000  }
0xb1: {  	s25 =	sadd.s32 $0x1, s25  }
0xb2: {  	p1 =	sne.s32 s25, s12  }
.Ltmp7:
0xb3: {  	_ = 	snop;
	(pc) =	sbr.rel @p1 .LBB2_1-.Ltmp7, $1  }
0xb4: {  	_ =	sdelay $0x3  }
0xb5: {  	_ =	sfence.sel $0x180000  }
0xb6: {  	[bflag:$0x0] =	sbarrier.arrive $0xFFFF  }
0xb7: {  	_ =	strace $0x90000047  }
0xb8: {  	s0 =	stileid.u32;
	[bflag:$0x2] =	sbarrier.arrive $0xFFFF  }
0xb9: {  	p0 =	sne.s32 s0, $0x0;
	s0 =	rddreg [dreg:$0x5]  }
0xba: {  	s0 =	sadd.s32 @!p0 $0x100000, s0  }
0xbb: {  	[sflag:s0] =	ssyncadd.tile.s32 @!p0 $0x1;
	_ =	shalt  }
.Lfunc_end2:
_tile_overlayer_lowered:
.L_overlay_start_2:
0xbc: {  	(tag) =	ssettag $0x2  }
0xbd: {  	s0 =	rddreg [dreg:$0x0];
	s2 =	stileid.u32  }
0xbe: {  	s1 =	rddreg [dreg:$0x1];
	p0 =	sne.s32 s2, $0x0  }
0xbf: {  	s3 =	rddreg [dreg:$0x2];
	[bflag:$0x3] =	sbarrier.arrive $0xFFFF;
	s2 =	simm.s32 @!p0 $0x1C05  }
0xc0: {  	[timem:s3], [sflag:s2] =	dma.local @!p0 [hbm:s0], s1  }
0xc1: {  	s0 =	simm.s32 @!p0 $0x5  }
0xc2: {  	_ =	swait.ge @!p0 [sflag:s0], s1  }
0xc3: {  	s1 =	ssub.s32 @!p0 $0x0, s1;
	[sflag:s0] =	ssyncset.done @!p0 $0x0  }
0xc4: {  	[sflag:s0] =	ssyncadd.s32 @!p0 s1  }
0xc5: {  	[bflag:$0x3] =	sbarrier.arrive $0xFFFF  }
0xc6: {  	_ =	shalt  }

</sc_bundles>
